<compile_context>
chip_gen: v7x
topology: tpu7x:2x2x1
jax: 0.10.2.dev20260603
libtpu: 0.0.44.dev20260713+nightly
codegen_flags: <defaults>
</compile_context>

<pallas_src>
import functools

import jax
import jax.numpy as jnp
from jax import lax
from jax.experimental import pallas as pl
from jax.experimental.pallas import tpu as pltpu
from jax.experimental.pallas import tpu_sc as plsc

_B = 256
_C = 100
_V = 1000
_D = 64
_HC = 64
_N = 50
_E = 800
_E2 = 2 * _E
_P = 37

_NP = _B // 2
_PB = 32
_NSTEP = _NP // _PB
_PL = 2 * _D

_NW = 32
_ROWS = _B * _C
_RPW = _ROWS // _NW
_CHUNK = 80
_NCHUNK = _RPW // _CHUNK


def _dot(a, b):
    return lax.dot(a, b, preferred_element_type=jnp.float32)


def _gather_sc(table, idx3):
    mesh = plsc.VectorSubcoreMesh(core_axis_name="c", subcore_axis_name="s")

    @functools.partial(
        pl.kernel,
        mesh=mesh,
        out_type=jax.ShapeDtypeStruct((_ROWS, _D), jnp.float32),
        scratch_types=[
            pltpu.VMEM((_NCHUNK, _CHUNK), jnp.int32),
            pltpu.VMEM((_RPW, _D), jnp.float32),
            pltpu.SemaphoreType.DMA,
        ],
        compiler_params=pltpu.CompilerParams(use_tc_tiling_on_sc=False),
    )
    def gk(table_hbm, idx_hbm, out_hbm, idx_v, rows_v, sem):
        wid = lax.axis_index("s") * 2 + lax.axis_index("c")
        pltpu.sync_copy(idx_hbm.at[wid], idx_v)
        copies = [
            pltpu.async_copy(
                table_hbm.at[idx_v.at[j]],
                rows_v.at[pl.ds(j * _CHUNK, _CHUNK)],
                sem,
            )
            for j in range(_NCHUNK)
        ]
        for cp in copies:
            cp.wait()
        pltpu.sync_copy(rows_v, out_hbm.at[pl.ds(wid * _RPW, _RPW)])

    return gk(table, idx3)


def _bd2(m):
    za = jnp.zeros_like(m)
    top = jnp.concatenate([m, za], axis=1)
    bot = jnp.concatenate([za, m], axis=1)
    return jnp.concatenate([top, bot], axis=0)


def _tc_body(x2_ref, ei2_ref, ei2t_ref, wz_ref, wh_ref, lzw_ref, lhw_ref,
             bz_ref, bh_ref, lzb_ref, lhb_ref, att_ref, lospair_ref,
             cw1_ref, cb1_ref, cw2_ref, cb2_ref, out_ref,
             a2_ref, bdzh_ref, czh_ref, sad_ref, sdis_ref):
    f32 = jnp.float32
    pid = pl.program_id(0)

    @pl.when(pid == 0)
    def _build():
        dst_row = ei2_ref[1:2, :]
        src_col = ei2t_ref[:, 0:1]
        dst_col = ei2t_ref[:, 1:2]
        io_ne = lax.broadcasted_iota(jnp.int32, (_C, _E2), 0)
        io_en = lax.broadcasted_iota(jnp.int32, (_E2, _C), 1)
        dst1ht = jnp.where(io_ne == dst_row, 1.0, 0.0).astype(f32)
        src1h = jnp.where(io_en == src_col, 1.0, 0.0).astype(f32)
        dst1h = jnp.where(io_en == dst_col, 1.0, 0.0).astype(f32)
        eye = jnp.where(
            lax.broadcasted_iota(jnp.int32, (_C, _C), 0)
            == lax.broadcasted_iota(jnp.int32, (_C, _C), 1),
            1.0, 0.0).astype(f32)
        acount = _dot(dst1ht, src1h) + eye
        deg_col = _dot(dst1ht, jnp.ones((_E2, 1), f32)) + 1.0
        deg_row = _dot(jnp.ones((1, _E2), f32), dst1h) + 1.0
        dinv_col = jnp.where(deg_col > 0, lax.rsqrt(deg_col), 0.0)
        dinv_row = jnp.where(deg_row > 0, lax.rsqrt(deg_row), 0.0)
        a2_ref[...] = acount * dinv_col * dinv_row

        lz1 = lzw_ref[0:_HC, :]
        lh1 = lhw_ref[0:_HC, :]
        bdzh_ref[...] = jnp.concatenate(
            [_bd2(_dot(wz_ref[...], lz1)), _bd2(_dot(wh_ref[...], lh1))],
            axis=1)
        c_z = _dot(bz_ref[...], lz1) + lzb_ref[...]
        c_h = _dot(bh_ref[...], lh1) + lhb_ref[...]
        czh_ref[...] = jnp.concatenate([c_z, c_z, c_h, c_h], axis=1)

    mask_ad = jnp.where(
        lax.broadcasted_iota(jnp.int32, (_C, 1), 0) < _N, 1.0, 0.0).astype(f32)
    y_all = _dot(a2_ref[...], x2_ref[...])
    czh = czh_ref[...]
    srows_ad, srows_dis = [], []
    for i in range(_PB):
        y = y_all[:, i * _PL:(i + 1) * _PL]
        zh = _dot(y, bdzh_ref[...]) + czh
        z = 0.5 * (1.0 + jnp.tanh(0.5 * zh[:, 0:_PL]))
        t = jnp.tanh(zh[:, _PL:2 * _PL])
        hn = (1.0 - z) * t
        srows_ad.append(jnp.sum(hn * mask_ad, axis=0, keepdims=True))
        srows_dis.append(jnp.sum(hn * (1.0 - mask_ad), axis=0, keepdims=True))
    sad_ref[pl.ds(pid * _PB, _PB), :] = jnp.concatenate(srows_ad, axis=0)
    sdis_ref[pl.ds(pid * _PB, _PB), :] = jnp.concatenate(srows_dis, axis=0)

    @pl.when(pid == _NSTEP - 1)
    def _finish():
        att = att_ref[...]
        ex = jnp.exp(att - jnp.max(att, axis=1, keepdims=True))
        probs = ex / jnp.sum(ex, axis=1, keepdims=True)
        io_p = lax.broadcasted_iota(jnp.int32, (_NP, _P), 1)

        def wcols(los_col):
            wa = jnp.sum(jnp.where(io_p < los_col, probs, 0.0),
                         axis=1, keepdims=True)
            wd = jnp.sum(jnp.where(io_p >= los_col, probs, 0.0),
                         axis=1, keepdims=True)
            return (jnp.broadcast_to(wa, (_NP, _HC)),
                    jnp.broadcast_to(wd, (_NP, _HC)))

        wa_e, wd_e = wcols(lospair_ref[:, 0:1])
        wa_o, wd_o = wcols(lospair_ref[:, 1:2])
        w_ad = jnp.concatenate([wa_e, wa_o], axis=1)
        w_dis = jnp.concatenate([wd_e, wd_o], axis=1)
        pooled = (w_ad * sad_ref[...] + w_dis * sdis_ref[...]) * (1.0 / _N)
        cb1 = cb1_ref[...]
        cb2 = cb2_ref[...]
        h = jnp.maximum(_dot(pooled, _bd2(cw1_ref[...]))
                        + jnp.concatenate([cb1, cb1], axis=1), 0.0)
        out_ref[...] = (_dot(h, _bd2(cw2_ref[...]))
                        + jnp.concatenate([cb2, cb2], axis=1))


def _tc_forward(x2, lospair, ei2, ei2t, wz, wh, lzw, lhw,
                bz2, bh2, lzb2, lhb2, att2, cw1, cb1, cw2, cb2):
    def rep(shape):
        return pl.BlockSpec(shape, lambda i: (0,) * len(shape))

    in_specs = [
        pl.BlockSpec((_C, _PB * _PL), lambda i: (0, i)),
        rep((2, _E2)), rep((_E2, 2)),
        rep((_D, _HC)), rep((_D, _HC)),
        rep((2 * _HC, _HC)), rep((2 * _HC, _HC)),
        rep((1, _HC)), rep((1, _HC)), rep((1, _HC)), rep((1, _HC)),
        rep((1, _P)), rep((_NP, 2)),
        rep((_HC, 2 * _HC)), rep((1, 2 * _HC)), rep((2 * _HC, 1)), rep((1, 1)),
    ]
    return pl.pallas_call(
        _tc_body,
        grid=(_NSTEP,),
        in_specs=in_specs,
        out_specs=pl.BlockSpec((_NP, 2), lambda i: (0, 0)),
        out_shape=jax.ShapeDtypeStruct((_NP, 2), jnp.float32),
        scratch_shapes=[
            pltpu.VMEM((_C, _C), jnp.float32),
            pltpu.VMEM((_PL, 2 * _PL), jnp.float32),
            pltpu.VMEM((1, 2 * _PL), jnp.float32),
            pltpu.VMEM((_NP, _PL), jnp.float32),
            pltpu.VMEM((_NP, _PL), jnp.float32),
        ],
    )(x2, ei2, ei2t, wz, wh, lzw, lhw,
      bz2, bh2, lzb2, lhb2, att2, lospair,
      cw1, cb1, cw2, cb2)


def kernel(x_batch, LOS_batch, template_edge_index, emb, W_z, b_z, W_r, b_r,
           W_h, b_h, lz_W, lz_b, lr_W, lr_b, lh_W, lh_b, attention,
           cls_W1, cls_b1, cls_W2, cls_b2):
    del W_r, b_r, lr_W, lr_b
    table = emb.reshape(_C * _V, _D)
    offs = (jnp.arange(_C, dtype=jnp.int32) * _V)[:, None]
    idx3 = (x_batch.astype(jnp.int32).T + offs).reshape(_NW, _NCHUNK, _CHUNK)
    g = _gather_sc(table, idx3)
    ei = template_edge_index.astype(jnp.int32)
    ei2 = jnp.concatenate([ei, ei + _N], axis=1)
    out2 = _tc_forward(
        g.reshape(_C, _B * _D),
        LOS_batch.astype(jnp.int32).reshape(_NP, 2),
        ei2, ei2.T,
        W_z, W_h, lz_W, lh_W,
        b_z.reshape(1, _HC), b_h.reshape(1, _HC),
        lz_b.reshape(1, _HC), lh_b.reshape(1, _HC),
        attention.reshape(1, _P),
        cls_W1, cls_b1.reshape(1, 2 * _HC), cls_W2, cls_b2.reshape(1, 1))
    return out2.reshape(_B, 1)

# --- scband reference (transcript-rebuilt; emitter-appended) ---
"""Pipeline reference for scband-a3-tgcn-2-points-53566832115798 (READ-ONLY COPY).

The authoritative reference and input builder live on the scoring server;
editing this copy changes nothing except your own understanding.
"""

import jax, jax.numpy as jnp
import numpy as np

B = 256; C = 100; V = 1000; D = 64; HC = 64; N = 50; E = 800; P = 37


def setup_inputs(seed: int = 0):
    key = jax.random.key(seed)
    ks = jax.random.split(key, 16)
    s = 0.02
    inp = {}
    inp["x_batch"] = jax.random.randint(ks[0], (B, C), 0, V)
    inp["LOS_batch"] = jax.random.randint(ks[1], (B,), 0, P)
    inp["template_edge_index"] = jax.random.randint(ks[2], (2, E), 0, N)
    inp["emb"] = jax.random.normal(ks[3], (C, V, D), dtype=jnp.float32) * s
    inp["W_z"] = jax.random.normal(ks[4], (D, HC), dtype=jnp.float32) * s
    inp["b_z"] = jnp.zeros((HC,), jnp.float32)
    inp["W_r"] = jax.random.normal(ks[5], (D, HC), dtype=jnp.float32) * s
    inp["b_r"] = jnp.zeros((HC,), jnp.float32)
    inp["W_h"] = jax.random.normal(ks[6], (D, HC), dtype=jnp.float32) * s
    inp["b_h"] = jnp.zeros((HC,), jnp.float32)
    inp["lz_W"] = jax.random.normal(ks[7], (2 * HC, HC), dtype=jnp.float32) * s
    inp["lz_b"] = jnp.zeros((HC,), jnp.float32)
    inp["lr_W"] = jax.random.normal(ks[8], (2 * HC, HC), dtype=jnp.float32) * s
    inp["lr_b"] = jnp.zeros((HC,), jnp.float32)
    inp["lh_W"] = jax.random.normal(ks[9], (2 * HC, HC), dtype=jnp.float32) * s
    inp["lh_b"] = jnp.zeros((HC,), jnp.float32)
    inp["attention"] = jax.random.normal(ks[10], (P,), dtype=jnp.float32) * s
    inp["cls_W1"] = jax.random.normal(ks[11], (HC, 2 * HC), dtype=jnp.float32) * s
    inp["cls_b1"] = jnp.zeros((2 * HC,), jnp.float32)
    inp["cls_W2"] = jax.random.normal(ks[12], (2 * HC, 1), dtype=jnp.float32) * s
    inp["cls_b2"] = jnp.zeros((1,), jnp.float32)
    return inp


def _gcn(x, W, b, src, dst, norm):
    # GCNConv: out = D^-1/2 (A+I) D^-1/2 (X W) + b, batched over leading dim
    xw = x @ W
    msg = xw[:, src, :] * norm[None, :, None]
    agg = jnp.zeros_like(xw).at[:, dst, :].add(msg)
    return agg + b


def _forward(x_batch, LOS_batch, edge_index, emb, W_z, b_z, W_r, b_r, W_h, b_h,
             lz_W, lz_b, lr_W, lr_b, lh_W, lh_b, attention, cls_W1, cls_b1, cls_W2, cls_b2):
    # EntityEmbeddingBatch3: per-column embedding lookup -> [B, C, D]
    col_ids = jnp.arange(C)
    x_emb = emb[col_ids[None, :], x_batch]
    # to_temporal: ad cols = 0..49, dis cols = 50..99
    ad = x_emb[:, :N, :]
    dis = x_emb[:, N:, :]
    mask = jnp.arange(P)[None, None, None, :] < LOS_batch[:, None, None, None]
    Xt = jnp.where(mask, ad[..., None], dis[..., None])  # [B, N, D, P]
    # GCN normalization with self loops
    src = jnp.concatenate([edge_index[0], jnp.arange(N, dtype=edge_index.dtype)])
    dst = jnp.concatenate([edge_index[1], jnp.arange(N, dtype=edge_index.dtype)])
    deg = jnp.zeros((N,), jnp.float32).at[dst].add(1.0)
    dinv = jnp.where(deg > 0, 1.0 / jnp.sqrt(deg), 0.0)
    norm = dinv[src] * dinv[dst]
    # A3TGCN2: attention-weighted sum of TGCN cell outputs over periods (H not carried,
    # matching torch_geometric_temporal A3TGCN semantics)
    probs = jax.nn.softmax(attention)
    H0 = jnp.zeros((B, N, HC), jnp.float32)
    H_accum = jnp.zeros((B, N, HC), jnp.float32)
    for p in range(P):
        x_t = Xt[:, :, :, p]
        Z = jax.nn.sigmoid(jnp.concatenate([_gcn(x_t, W_z, b_z, src, dst, norm), H0], axis=-1) @ lz_W + lz_b)
        R = jax.nn.sigmoid(jnp.concatenate([_gcn(x_t, W_r, b_r, src, dst, norm), H0], axis=-1) @ lr_W + lr_b)
        Htilde = jnp.tanh(jnp.concatenate([_gcn(x_t, W_h, b_h, src, dst, norm), H0 * R], axis=-1) @ lh_W + lh_b)
        Hn = Z * H0 + (1.0 - Z) * Htilde
        H_accum = H_accum + probs[p] * Hn
    pooled = jnp.mean(H_accum, axis=1)  # [B, HC]
    h = jax.nn.relu(pooled @ cls_W1 + cls_b1)
    return h @ cls_W2 + cls_b2  # [B, 1] (num_classes == 2 -> out_dim 1)


def reference(x_batch, LOS_batch, template_edge_index, emb, W_z, b_z, W_r, b_r, W_h, b_h,
              lz_W, lz_b, lr_W, lr_b, lh_W, lh_b, attention, cls_W1, cls_b1, cls_W2, cls_b2):
    return _forward(x_batch, LOS_batch, template_edge_index, emb, W_z, b_z, W_r, b_r, W_h, b_h,
                    lz_W, lz_b, lr_W, lr_b, lh_W, lh_b, attention, cls_W1, cls_b1, cls_W2, cls_b2)

if __name__ == "__main__":
    import jax
    _d = setup_inputs()
    print(jax.jit(kernel)(*tuple(_d.values())))

</pallas_src>

<mosaic_0001>
#map = affine_map<(d0, d1) -> (0, 0)>
#map1 = affine_map<(d0, d1) -> (0, 0, 0)>
module attributes {stable_mosaic.version = 14 : i64} {
  func.func @gk(%arg0: i32, %arg1: i32, %arg2: memref<100000x64xf32, #tpu.memory_space<hbm>>, %arg3: memref<32x10x80xi32, #tpu.memory_space<hbm>>, %arg4: memref<25600x64xf32, #tpu.memory_space<hbm>>, %arg5: memref<10x80xi32, #tpu.memory_space<vmem>>, %arg6: memref<800x64xf32, #tpu.memory_space<vmem>>, %arg7: memref<!tpu.dma_semaphore, #tpu.memory_space<semaphore_mem>>) attributes {dimension_semantics = [#tpu.dimension_semantics<core_parallel>, #tpu.dimension_semantics<subcore_parallel>], iteration_bounds = array<i64: 2, 16>, scalar_prefetch = 0 : i64, scratch_operands = 3 : i64, tpu.core_type = #tpu.core_type<sc_vector_subcore>, window_params = [{transform_indices = #map}, {transform_indices = #map1}, {transform_indices = #map}]} {
    %mul3A = arith.constant 2 : i32
    %mul3A_0 = arith.muli %arg1, %mul3A : i32
    %add3A = arith.addi %mul3A_0, %arg0 : i32
    "tpu.region"() ({
      %run_scoped3A = tpu.sem_alloc : memref<!tpu.dma_semaphore, #tpu.memory_space<semaphore_mem>>
      %dma_start3A_201 = arith.constant 0 : i32
      %dma_start3A_202 = arith.constant 0 : i32
      %dma_start3A_203 = tpu.memref_slice %arg3[%add3A, %dma_start3A_201, %dma_start3A_202] : memref<32x10x80xi32, #tpu.memory_space<hbm>> -> memref<1x10x80xi32, #tpu.memory_space<hbm>>
      %dma_start3A_204 = tpu.memref_squeeze %dma_start3A_203 : memref<1x10x80xi32, #tpu.memory_space<hbm>> -> memref<10x80xi32, #tpu.memory_space<hbm>>
      %dma_start3A_205 = arith.constant 0 : i32
      %dma_start3A_206 = arith.constant 0 : i32
      %dma_start3A_207 = tpu.memref_slice %arg3[%add3A, %dma_start3A_205, %dma_start3A_206] : memref<32x10x80xi32, #tpu.memory_space<hbm>> -> memref<1x10x80xi32, #tpu.memory_space<hbm>>
      %dma_start3A_208 = tpu.memref_squeeze %dma_start3A_207 : memref<1x10x80xi32, #tpu.memory_space<hbm>> -> memref<10x80xi32, #tpu.memory_space<hbm>>
      tpu.enqueue_dma source(%dma_start3A_208 : memref<10x80xi32, #tpu.memory_space<hbm>>) target(%arg5 : memref<10x80xi32, #tpu.memory_space<vmem>>) target_semaphore(%run_scoped3A : memref<!tpu.dma_semaphore, #tpu.memory_space<semaphore_mem>>)
      %dma_wait3A_209 = arith.constant 0 : i32
      %dma_wait3A_210 = arith.constant 0 : i32
      %dma_wait3A_211 = tpu.memref_slice %arg3[%add3A, %dma_wait3A_209, %dma_wait3A_210] : memref<32x10x80xi32, #tpu.memory_space<hbm>> -> memref<1x10x80xi32, #tpu.memory_space<hbm>>
      %dma_wait3A_212 = tpu.memref_squeeze %dma_wait3A_211 : memref<1x10x80xi32, #tpu.memory_space<hbm>> -> memref<10x80xi32, #tpu.memory_space<hbm>>
      %dma_wait3A_213 = arith.constant 0 : i32
      %dma_wait3A_214 = arith.constant 0 : i32
      %dma_wait3A_215 = tpu.memref_slice %arg3[%add3A, %dma_wait3A_213, %dma_wait3A_214] : memref<32x10x80xi32, #tpu.memory_space<hbm>> -> memref<1x10x80xi32, #tpu.memory_space<hbm>>
      %dma_wait3A_216 = tpu.memref_squeeze %dma_wait3A_215 : memref<1x10x80xi32, #tpu.memory_space<hbm>> -> memref<10x80xi32, #tpu.memory_space<hbm>>
      tpu.wait_dma2 semaphore(%run_scoped3A : memref<!tpu.dma_semaphore, #tpu.memory_space<semaphore_mem>>) src(%dma_wait3A_216 : memref<10x80xi32, #tpu.memory_space<hbm>>) dst(%arg5 : memref<10x80xi32, #tpu.memory_space<vmem>>)
      tpu.yield
    }) : () -> ()
    %dma_start3A = arith.constant 0 : i32
    %dma_start3A_1 = arith.constant 0 : i32
    %dma_start3A_2 = arith.constant 0 : i32
    %dma_start3A_3 = tpu.memref_slice %arg6[%dma_start3A_1, %dma_start3A_2] : memref<800x64xf32, #tpu.memory_space<vmem>> -> memref<80x64xf32, #tpu.memory_space<vmem>>
    %dma_start3A_4 = arith.constant 0 : i32
    %dma_start3A_5 = tpu.memref_slice %arg5[%dma_start3A, %dma_start3A_4] : memref<10x80xi32, #tpu.memory_space<vmem>> -> memref<1x80xi32, #tpu.memory_space<vmem>>
    %dma_start3A_6 = tpu.memref_squeeze %dma_start3A_5 : memref<1x80xi32, #tpu.memory_space<vmem>> -> memref<80xi32, #tpu.memory_space<vmem>>
    %dma_start3A_7 = arith.constant 0 : i32
    %dma_start3A_8 = arith.constant 0 : i32
    %dma_start3A_9 = tpu.memref_slice %arg2[%dma_start3A_7, %dma_start3A_8] : memref<100000x64xf32, #tpu.memory_space<hbm>> -> memref<100000x64xf32, #tpu.memory_space<hbm>>
    tpu.enqueue_indirect_dma source(%dma_start3A_9 : memref<100000x64xf32, #tpu.memory_space<hbm>>) target(%dma_start3A_3 : memref<80x64xf32, #tpu.memory_space<vmem>>) offsets(%dma_start3A_6 : memref<80xi32, #tpu.memory_space<vmem>>) semaphore(%arg7 : memref<!tpu.dma_semaphore, #tpu.memory_space<semaphore_mem>>)
    %dma_start3A_10 = arith.constant 1 : i32
    %dma_start3A_11 = arith.constant 80 : i32
    %dma_start3A_12 = arith.constant 0 : i32
    %dma_start3A_13 = tpu.memref_slice %arg6[%dma_start3A_11, %dma_start3A_12] : memref<800x64xf32, #tpu.memory_space<vmem>> -> memref<80x64xf32, #tpu.memory_space<vmem>>
    %dma_start3A_14 = arith.constant 0 : i32
    %dma_start3A_15 = tpu.memref_slice %arg5[%dma_start3A_10, %dma_start3A_14] : memref<10x80xi32, #tpu.memory_space<vmem>> -> memref<1x80xi32, #tpu.memory_space<vmem>>
    %dma_start3A_16 = tpu.memref_squeeze %dma_start3A_15 : memref<1x80xi32, #tpu.memory_space<vmem>> -> memref<80xi32, #tpu.memory_space<vmem>>
    %dma_start3A_17 = arith.constant 0 : i32
    %dma_start3A_18 = arith.constant 0 : i32
    %dma_start3A_19 = tpu.memref_slice %arg2[%dma_start3A_17, %dma_start3A_18] : memref<100000x64xf32, #tpu.memory_space<hbm>> -> memref<100000x64xf32, #tpu.memory_space<hbm>>
    tpu.enqueue_indirect_dma source(%dma_start3A_19 : memref<100000x64xf32, #tpu.memory_space<hbm>>) target(%dma_start3A_13 : memref<80x64xf32, #tpu.memory_space<vmem>>) offsets(%dma_start3A_16 : memref<80xi32, #tpu.memory_space<vmem>>) semaphore(%arg7 : memref<!tpu.dma_semaphore, #tpu.memory_space<semaphore_mem>>)
    %dma_start3A_20 = arith.constant 2 : i32
    %dma_start3A_21 = arith.constant 160 : i32
    %dma_start3A_22 = arith.constant 0 : i32
    %dma_start3A_23 = tpu.memref_slice %arg6[%dma_start3A_21, %dma_start3A_22] : memref<800x64xf32, #tpu.memory_space<vmem>> -> memref<80x64xf32, #tpu.memory_space<vmem>>
    %dma_start3A_24 = arith.constant 0 : i32
    %dma_start3A_25 = tpu.memref_slice %arg5[%dma_start3A_20, %dma_start3A_24] : memref<10x80xi32, #tpu.memory_space<vmem>> -> memref<1x80xi32, #tpu.memory_space<vmem>>
    %dma_start3A_26 = tpu.memref_squeeze %dma_start3A_25 : memref<1x80xi32, #tpu.memory_space<vmem>> -> memref<80xi32, #tpu.memory_space<vmem>>
    %dma_start3A_27 = arith.constant 0 : i32
    %dma_start3A_28 = arith.constant 0 : i32
    %dma_start3A_29 = tpu.memref_slice %arg2[%dma_start3A_27, %dma_start3A_28] : memref<100000x64xf32, #tpu.memory_space<hbm>> -> memref<100000x64xf32, #tpu.memory_space<hbm>>
    tpu.enqueue_indirect_dma source(%dma_start3A_29 : memref<100000x64xf32, #tpu.memory_space<hbm>>) target(%dma_start3A_23 : memref<80x64xf32, #tpu.memory_space<vmem>>) offsets(%dma_start3A_26 : memref<80xi32, #tpu.memory_space<vmem>>) semaphore(%arg7 : memref<!tpu.dma_semaphore, #tpu.memory_space<semaphore_mem>>)
    %dma_start3A_30 = arith.constant 3 : i32
    %dma_start3A_31 = arith.constant 240 : i32
    %dma_start3A_32 = arith.constant 0 : i32
    %dma_start3A_33 = tpu.memref_slice %arg6[%dma_start3A_31, %dma_start3A_32] : memref<800x64xf32, #tpu.memory_space<vmem>> -> memref<80x64xf32, #tpu.memory_space<vmem>>
    %dma_start3A_34 = arith.constant 0 : i32
    %dma_start3A_35 = tpu.memref_slice %arg5[%dma_start3A_30, %dma_start3A_34] : memref<10x80xi32, #tpu.memory_space<vmem>> -> memref<1x80xi32, #tpu.memory_space<vmem>>
    %dma_start3A_36 = tpu.memref_squeeze %dma_start3A_35 : memref<1x80xi32, #tpu.memory_space<vmem>> -> memref<80xi32, #tpu.memory_space<vmem>>
    %dma_start3A_37 = arith.constant 0 : i32
    %dma_start3A_38 = arith.constant 0 : i32
    %dma_start3A_39 = tpu.memref_slice %arg2[%dma_start3A_37, %dma_start3A_38] : memref<100000x64xf32, #tpu.memory_space<hbm>> -> memref<100000x64xf32, #tpu.memory_space<hbm>>
    tpu.enqueue_indirect_dma source(%dma_start3A_39 : memref<100000x64xf32, #tpu.memory_space<hbm>>) target(%dma_start3A_33 : memref<80x64xf32, #tpu.memory_space<vmem>>) offsets(%dma_start3A_36 : memref<80xi32, #tpu.memory_space<vmem>>) semaphore(%arg7 : memref<!tpu.dma_semaphore, #tpu.memory_space<semaphore_mem>>)
    %dma_start3A_40 = arith.constant 4 : i32
    %dma_start3A_41 = arith.constant 320 : i32
    %dma_start3A_42 = arith.constant 0 : i32
    %dma_start3A_43 = tpu.memref_slice %arg6[%dma_start3A_41, %dma_start3A_42] : memref<800x64xf32, #tpu.memory_space<vmem>> -> memref<80x64xf32, #tpu.memory_space<vmem>>
    %dma_start3A_44 = arith.constant 0 : i32
    %dma_start3A_45 = tpu.memref_slice %arg5[%dma_start3A_40, %dma_start3A_44] : memref<10x80xi32, #tpu.memory_space<vmem>> -> memref<1x80xi32, #tpu.memory_space<vmem>>
    %dma_start3A_46 = tpu.memref_squeeze %dma_start3A_45 : memref<1x80xi32, #tpu.memory_space<vmem>> -> memref<80xi32, #tpu.memory_space<vmem>>
    %dma_start3A_47 = arith.constant 0 : i32
    %dma_start3A_48 = arith.constant 0 : i32
    %dma_start3A_49 = tpu.memref_slice %arg2[%dma_start3A_47, %dma_start3A_48] : memref<100000x64xf32, #tpu.memory_space<hbm>> -> memref<100000x64xf32, #tpu.memory_space<hbm>>
    tpu.enqueue_indirect_dma source(%dma_start3A_49 : memref<100000x64xf32, #tpu.memory_space<hbm>>) target(%dma_start3A_43 : memref<80x64xf32, #tpu.memory_space<vmem>>) offsets(%dma_start3A_46 : memref<80xi32, #tpu.memory_space<vmem>>) semaphore(%arg7 : memref<!tpu.dma_semaphore, #tpu.memory_space<semaphore_mem>>)
    %dma_start3A_50 = arith.constant 5 : i32
    %dma_start3A_51 = arith.constant 400 : i32
    %dma_start3A_52 = arith.constant 0 : i32
    %dma_start3A_53 = tpu.memref_slice %arg6[%dma_start3A_51, %dma_start3A_52] : memref<800x64xf32, #tpu.memory_space<vmem>> -> memref<80x64xf32, #tpu.memory_space<vmem>>
    %dma_start3A_54 = arith.constant 0 : i32
    %dma_start3A_55 = tpu.memref_slice %arg5[%dma_start3A_50, %dma_start3A_54] : memref<10x80xi32, #tpu.memory_space<vmem>> -> memref<1x80xi32, #tpu.memory_space<vmem>>
    %dma_start3A_56 = tpu.memref_squeeze %dma_start3A_55 : memref<1x80xi32, #tpu.memory_space<vmem>> -> memref<80xi32, #tpu.memory_space<vmem>>
    %dma_start3A_57 = arith.constant 0 : i32
    %dma_start3A_58 = arith.constant 0 : i32
    %dma_start3A_59 = tpu.memref_slice %arg2[%dma_start3A_57, %dma_start3A_58] : memref<100000x64xf32, #tpu.memory_space<hbm>> -> memref<100000x64xf32, #tpu.memory_space<hbm>>
    tpu.enqueue_indirect_dma source(%dma_start3A_59 : memref<100000x64xf32, #tpu.memory_space<hbm>>) target(%dma_start3A_53 : memref<80x64xf32, #tpu.memory_space<vmem>>) offsets(%dma_start3A_56 : memref<80xi32, #tpu.memory_space<vmem>>) semaphore(%arg7 : memref<!tpu.dma_semaphore, #tpu.memory_space<semaphore_mem>>)
    %dma_start3A_60 = arith.constant 6 : i32
    %dma_start3A_61 = arith.constant 480 : i32
    %dma_start3A_62 = arith.constant 0 : i32
    %dma_start3A_63 = tpu.memref_slice %arg6[%dma_start3A_61, %dma_start3A_62] : memref<800x64xf32, #tpu.memory_space<vmem>> -> memref<80x64xf32, #tpu.memory_space<vmem>>
    %dma_start3A_64 = arith.constant 0 : i32
    %dma_start3A_65 = tpu.memref_slice %arg5[%dma_start3A_60, %dma_start3A_64] : memref<10x80xi32, #tpu.memory_space<vmem>> -> memref<1x80xi32, #tpu.memory_space<vmem>>
    %dma_start3A_66 = tpu.memref_squeeze %dma_start3A_65 : memref<1x80xi32, #tpu.memory_space<vmem>> -> memref<80xi32, #tpu.memory_space<vmem>>
    %dma_start3A_67 = arith.constant 0 : i32
    %dma_start3A_68 = arith.constant 0 : i32
    %dma_start3A_69 = tpu.memref_slice %arg2[%dma_start3A_67, %dma_start3A_68] : memref<100000x64xf32, #tpu.memory_space<hbm>> -> memref<100000x64xf32, #tpu.memory_space<hbm>>
    tpu.enqueue_indirect_dma source(%dma_start3A_69 : memref<100000x64xf32, #tpu.memory_space<hbm>>) target(%dma_start3A_63 : memref<80x64xf32, #tpu.memory_space<vmem>>) offsets(%dma_start3A_66 : memref<80xi32, #tpu.memory_space<vmem>>) semaphore(%arg7 : memref<!tpu.dma_semaphore, #tpu.memory_space<semaphore_mem>>)
    %dma_start3A_70 = arith.constant 7 : i32
    %dma_start3A_71 = arith.constant 560 : i32
    %dma_start3A_72 = arith.constant 0 : i32
    %dma_start3A_73 = tpu.memref_slice %arg6[%dma_start3A_71, %dma_start3A_72] : memref<800x64xf32, #tpu.memory_space<vmem>> -> memref<80x64xf32, #tpu.memory_space<vmem>>
    %dma_start3A_74 = arith.constant 0 : i32
    %dma_start3A_75 = tpu.memref_slice %arg5[%dma_start3A_70, %dma_start3A_74] : memref<10x80xi32, #tpu.memory_space<vmem>> -> memref<1x80xi32, #tpu.memory_space<vmem>>
    %dma_start3A_76 = tpu.memref_squeeze %dma_start3A_75 : memref<1x80xi32, #tpu.memory_space<vmem>> -> memref<80xi32, #tpu.memory_space<vmem>>
    %dma_start3A_77 = arith.constant 0 : i32
    %dma_start3A_78 = arith.constant 0 : i32
    %dma_start3A_79 = tpu.memref_slice %arg2[%dma_start3A_77, %dma_start3A_78] : memref<100000x64xf32, #tpu.memory_space<hbm>> -> memref<100000x64xf32, #tpu.memory_space<hbm>>
    tpu.enqueue_indirect_dma source(%dma_start3A_79 : memref<100000x64xf32, #tpu.memory_space<hbm>>) target(%dma_start3A_73 : memref<80x64xf32, #tpu.memory_space<vmem>>) offsets(%dma_start3A_76 : memref<80xi32, #tpu.memory_space<vmem>>) semaphore(%arg7 : memref<!tpu.dma_semaphore, #tpu.memory_space<semaphore_mem>>)
    %dma_start3A_80 = arith.constant 8 : i32
    %dma_start3A_81 = arith.constant 640 : i32
    %dma_start3A_82 = arith.constant 0 : i32
    %dma_start3A_83 = tpu.memref_slice %arg6[%dma_start3A_81, %dma_start3A_82] : memref<800x64xf32, #tpu.memory_space<vmem>> -> memref<80x64xf32, #tpu.memory_space<vmem>>
    %dma_start3A_84 = arith.constant 0 : i32
    %dma_start3A_85 = tpu.memref_slice %arg5[%dma_start3A_80, %dma_start3A_84] : memref<10x80xi32, #tpu.memory_space<vmem>> -> memref<1x80xi32, #tpu.memory_space<vmem>>
    %dma_start3A_86 = tpu.memref_squeeze %dma_start3A_85 : memref<1x80xi32, #tpu.memory_space<vmem>> -> memref<80xi32, #tpu.memory_space<vmem>>
    %dma_start3A_87 = arith.constant 0 : i32
    %dma_start3A_88 = arith.constant 0 : i32
    %dma_start3A_89 = tpu.memref_slice %arg2[%dma_start3A_87, %dma_start3A_88] : memref<100000x64xf32, #tpu.memory_space<hbm>> -> memref<100000x64xf32, #tpu.memory_space<hbm>>
    tpu.enqueue_indirect_dma source(%dma_start3A_89 : memref<100000x64xf32, #tpu.memory_space<hbm>>) target(%dma_start3A_83 : memref<80x64xf32, #tpu.memory_space<vmem>>) offsets(%dma_start3A_86 : memref<80xi32, #tpu.memory_space<vmem>>) semaphore(%arg7 : memref<!tpu.dma_semaphore, #tpu.memory_space<semaphore_mem>>)
    %dma_start3A_90 = arith.constant 9 : i32
    %dma_start3A_91 = arith.constant 720 : i32
    %dma_start3A_92 = arith.constant 0 : i32
    %dma_start3A_93 = tpu.memref_slice %arg6[%dma_start3A_91, %dma_start3A_92] : memref<800x64xf32, #tpu.memory_space<vmem>> -> memref<80x64xf32, #tpu.memory_space<vmem>>
    %dma_start3A_94 = arith.constant 0 : i32
    %dma_start3A_95 = tpu.memref_slice %arg5[%dma_start3A_90, %dma_start3A_94] : memref<10x80xi32, #tpu.memory_space<vmem>> -> memref<1x80xi32, #tpu.memory_space<vmem>>
    %dma_start3A_96 = tpu.memref_squeeze %dma_start3A_95 : memref<1x80xi32, #tpu.memory_space<vmem>> -> memref<80xi32, #tpu.memory_space<vmem>>
    %dma_start3A_97 = arith.constant 0 : i32
    %dma_start3A_98 = arith.constant 0 : i32
    %dma_start3A_99 = tpu.memref_slice %arg2[%dma_start3A_97, %dma_start3A_98] : memref<100000x64xf32, #tpu.memory_space<hbm>> -> memref<100000x64xf32, #tpu.memory_space<hbm>>
    tpu.enqueue_indirect_dma source(%dma_start3A_99 : memref<100000x64xf32, #tpu.memory_space<hbm>>) target(%dma_start3A_93 : memref<80x64xf32, #tpu.memory_space<vmem>>) offsets(%dma_start3A_96 : memref<80xi32, #tpu.memory_space<vmem>>) semaphore(%arg7 : memref<!tpu.dma_semaphore, #tpu.memory_space<semaphore_mem>>)
    %dma_wait3A = arith.constant 0 : i32
    %dma_wait3A_100 = arith.constant 0 : i32
    %dma_wait3A_101 = arith.constant 0 : i32
    %dma_wait3A_102 = tpu.memref_slice %arg6[%dma_wait3A_100, %dma_wait3A_101] : memref<800x64xf32, #tpu.memory_space<vmem>> -> memref<80x64xf32, #tpu.memory_space<vmem>>
    %dma_wait3A_103 = arith.constant 0 : i32
    %dma_wait3A_104 = tpu.memref_slice %arg5[%dma_wait3A, %dma_wait3A_103] : memref<10x80xi32, #tpu.memory_space<vmem>> -> memref<1x80xi32, #tpu.memory_space<vmem>>
    %dma_wait3A_105 = tpu.memref_squeeze %dma_wait3A_104 : memref<1x80xi32, #tpu.memory_space<vmem>> -> memref<80xi32, #tpu.memory_space<vmem>>
    %dma_wait3A_106 = arith.constant 0 : i32
    %dma_wait3A_107 = arith.constant 0 : i32
    %dma_wait3A_108 = tpu.memref_slice %arg2[%dma_wait3A_106, %dma_wait3A_107] : memref<100000x64xf32, #tpu.memory_space<hbm>> -> memref<100000x64xf32, #tpu.memory_space<hbm>>
    tpu.wait_indirect_dma semaphore(%arg7 : memref<!tpu.dma_semaphore, #tpu.memory_space<semaphore_mem>>) src(%dma_wait3A_108 : memref<100000x64xf32, #tpu.memory_space<hbm>>) dst(%dma_wait3A_102 : memref<80x64xf32, #tpu.memory_space<vmem>>)
    %dma_wait3A_109 = arith.constant 1 : i32
    %dma_wait3A_110 = arith.constant 80 : i32
    %dma_wait3A_111 = arith.constant 0 : i32
    %dma_wait3A_112 = tpu.memref_slice %arg6[%dma_wait3A_110, %dma_wait3A_111] : memref<800x64xf32, #tpu.memory_space<vmem>> -> memref<80x64xf32, #tpu.memory_space<vmem>>
    %dma_wait3A_113 = arith.constant 0 : i32
    %dma_wait3A_114 = tpu.memref_slice %arg5[%dma_wait3A_109, %dma_wait3A_113] : memref<10x80xi32, #tpu.memory_space<vmem>> -> memref<1x80xi32, #tpu.memory_space<vmem>>
    %dma_wait3A_115 = tpu.memref_squeeze %dma_wait3A_114 : memref<1x80xi32, #tpu.memory_space<vmem>> -> memref<80xi32, #tpu.memory_space<vmem>>
    %dma_wait3A_116 = arith.constant 0 : i32
    %dma_wait3A_117 = arith.constant 0 : i32
    %dma_wait3A_118 = tpu.memref_slice %arg2[%dma_wait3A_116, %dma_wait3A_117] : memref<100000x64xf32, #tpu.memory_space<hbm>> -> memref<100000x64xf32, #tpu.memory_space<hbm>>
    tpu.wait_indirect_dma semaphore(%arg7 : memref<!tpu.dma_semaphore, #tpu.memory_space<semaphore_mem>>) src(%dma_wait3A_118 : memref<100000x64xf32, #tpu.memory_space<hbm>>) dst(%dma_wait3A_112 : memref<80x64xf32, #tpu.memory_space<vmem>>)
    %dma_wait3A_119 = arith.constant 2 : i32
    %dma_wait3A_120 = arith.constant 160 : i32
    %dma_wait3A_121 = arith.constant 0 : i32
    %dma_wait3A_122 = tpu.memref_slice %arg6[%dma_wait3A_120, %dma_wait3A_121] : memref<800x64xf32, #tpu.memory_space<vmem>> -> memref<80x64xf32, #tpu.memory_space<vmem>>
    %dma_wait3A_123 = arith.constant 0 : i32
    %dma_wait3A_124 = tpu.memref_slice %arg5[%dma_wait3A_119, %dma_wait3A_123] : memref<10x80xi32, #tpu.memory_space<vmem>> -> memref<1x80xi32, #tpu.memory_space<vmem>>
    %dma_wait3A_125 = tpu.memref_squeeze %dma_wait3A_124 : memref<1x80xi32, #tpu.memory_space<vmem>> -> memref<80xi32, #tpu.memory_space<vmem>>
    %dma_wait3A_126 = arith.constant 0 : i32
    %dma_wait3A_127 = arith.constant 0 : i32
    %dma_wait3A_128 = tpu.memref_slice %arg2[%dma_wait3A_126, %dma_wait3A_127] : memref<100000x64xf32, #tpu.memory_space<hbm>> -> memref<100000x64xf32, #tpu.memory_space<hbm>>
    tpu.wait_indirect_dma semaphore(%arg7 : memref<!tpu.dma_semaphore, #tpu.memory_space<semaphore_mem>>) src(%dma_wait3A_128 : memref<100000x64xf32, #tpu.memory_space<hbm>>) dst(%dma_wait3A_122 : memref<80x64xf32, #tpu.memory_space<vmem>>)
    %dma_wait3A_129 = arith.constant 3 : i32
    %dma_wait3A_130 = arith.constant 240 : i32
    %dma_wait3A_131 = arith.constant 0 : i32
    %dma_wait3A_132 = tpu.memref_slice %arg6[%dma_wait3A_130, %dma_wait3A_131] : memref<800x64xf32, #tpu.memory_space<vmem>> -> memref<80x64xf32, #tpu.memory_space<vmem>>
    %dma_wait3A_133 = arith.constant 0 : i32
    %dma_wait3A_134 = tpu.memref_slice %arg5[%dma_wait3A_129, %dma_wait3A_133] : memref<10x80xi32, #tpu.memory_space<vmem>> -> memref<1x80xi32, #tpu.memory_space<vmem>>
    %dma_wait3A_135 = tpu.memref_squeeze %dma_wait3A_134 : memref<1x80xi32, #tpu.memory_space<vmem>> -> memref<80xi32, #tpu.memory_space<vmem>>
    %dma_wait3A_136 = arith.constant 0 : i32
    %dma_wait3A_137 = arith.constant 0 : i32
    %dma_wait3A_138 = tpu.memref_slice %arg2[%dma_wait3A_136, %dma_wait3A_137] : memref<100000x64xf32, #tpu.memory_space<hbm>> -> memref<100000x64xf32, #tpu.memory_space<hbm>>
    tpu.wait_indirect_dma semaphore(%arg7 : memref<!tpu.dma_semaphore, #tpu.memory_space<semaphore_mem>>) src(%dma_wait3A_138 : memref<100000x64xf32, #tpu.memory_space<hbm>>) dst(%dma_wait3A_132 : memref<80x64xf32, #tpu.memory_space<vmem>>)
    %dma_wait3A_139 = arith.constant 4 : i32
    %dma_wait3A_140 = arith.constant 320 : i32
    %dma_wait3A_141 = arith.constant 0 : i32
    %dma_wait3A_142 = tpu.memref_slice %arg6[%dma_wait3A_140, %dma_wait3A_141] : memref<800x64xf32, #tpu.memory_space<vmem>> -> memref<80x64xf32, #tpu.memory_space<vmem>>
    %dma_wait3A_143 = arith.constant 0 : i32
    %dma_wait3A_144 = tpu.memref_slice %arg5[%dma_wait3A_139, %dma_wait3A_143] : memref<10x80xi32, #tpu.memory_space<vmem>> -> memref<1x80xi32, #tpu.memory_space<vmem>>
    %dma_wait3A_145 = tpu.memref_squeeze %dma_wait3A_144 : memref<1x80xi32, #tpu.memory_space<vmem>> -> memref<80xi32, #tpu.memory_space<vmem>>
    %dma_wait3A_146 = arith.constant 0 : i32
    %dma_wait3A_147 = arith.constant 0 : i32
    %dma_wait3A_148 = tpu.memref_slice %arg2[%dma_wait3A_146, %dma_wait3A_147] : memref<100000x64xf32, #tpu.memory_space<hbm>> -> memref<100000x64xf32, #tpu.memory_space<hbm>>
    tpu.wait_indirect_dma semaphore(%arg7 : memref<!tpu.dma_semaphore, #tpu.memory_space<semaphore_mem>>) src(%dma_wait3A_148 : memref<100000x64xf32, #tpu.memory_space<hbm>>) dst(%dma_wait3A_142 : memref<80x64xf32, #tpu.memory_space<vmem>>)
    %dma_wait3A_149 = arith.constant 5 : i32
    %dma_wait3A_150 = arith.constant 400 : i32
    %dma_wait3A_151 = arith.constant 0 : i32
    %dma_wait3A_152 = tpu.memref_slice %arg6[%dma_wait3A_150, %dma_wait3A_151] : memref<800x64xf32, #tpu.memory_space<vmem>> -> memref<80x64xf32, #tpu.memory_space<vmem>>
    %dma_wait3A_153 = arith.constant 0 : i32
    %dma_wait3A_154 = tpu.memref_slice %arg5[%dma_wait3A_149, %dma_wait3A_153] : memref<10x80xi32, #tpu.memory_space<vmem>> -> memref<1x80xi32, #tpu.memory_space<vmem>>
    %dma_wait3A_155 = tpu.memref_squeeze %dma_wait3A_154 : memref<1x80xi32, #tpu.memory_space<vmem>> -> memref<80xi32, #tpu.memory_space<vmem>>
    %dma_wait3A_156 = arith.constant 0 : i32
    %dma_wait3A_157 = arith.constant 0 : i32
    %dma_wait3A_158 = tpu.memref_slice %arg2[%dma_wait3A_156, %dma_wait3A_157] : memref<100000x64xf32, #tpu.memory_space<hbm>> -> memref<100000x64xf32, #tpu.memory_space<hbm>>
    tpu.wait_indirect_dma semaphore(%arg7 : memref<!tpu.dma_semaphore, #tpu.memory_space<semaphore_mem>>) src(%dma_wait3A_158 : memref<100000x64xf32, #tpu.memory_space<hbm>>) dst(%dma_wait3A_152 : memref<80x64xf32, #tpu.memory_space<vmem>>)
    %dma_wait3A_159 = arith.constant 6 : i32
    %dma_wait3A_160 = arith.constant 480 : i32
    %dma_wait3A_161 = arith.constant 0 : i32
    %dma_wait3A_162 = tpu.memref_slice %arg6[%dma_wait3A_160, %dma_wait3A_161] : memref<800x64xf32, #tpu.memory_space<vmem>> -> memref<80x64xf32, #tpu.memory_space<vmem>>
    %dma_wait3A_163 = arith.constant 0 : i32
    %dma_wait3A_164 = tpu.memref_slice %arg5[%dma_wait3A_159, %dma_wait3A_163] : memref<10x80xi32, #tpu.memory_space<vmem>> -> memref<1x80xi32, #tpu.memory_space<vmem>>
    %dma_wait3A_165 = tpu.memref_squeeze %dma_wait3A_164 : memref<1x80xi32, #tpu.memory_space<vmem>> -> memref<80xi32, #tpu.memory_space<vmem>>
    %dma_wait3A_166 = arith.constant 0 : i32
    %dma_wait3A_167 = arith.constant 0 : i32
    %dma_wait3A_168 = tpu.memref_slice %arg2[%dma_wait3A_166, %dma_wait3A_167] : memref<100000x64xf32, #tpu.memory_space<hbm>> -> memref<100000x64xf32, #tpu.memory_space<hbm>>
    tpu.wait_indirect_dma semaphore(%arg7 : memref<!tpu.dma_semaphore, #tpu.memory_space<semaphore_mem>>) src(%dma_wait3A_168 : memref<100000x64xf32, #tpu.memory_space<hbm>>) dst(%dma_wait3A_162 : memref<80x64xf32, #tpu.memory_space<vmem>>)
    %dma_wait3A_169 = arith.constant 7 : i32
    %dma_wait3A_170 = arith.constant 560 : i32
    %dma_wait3A_171 = arith.constant 0 : i32
    %dma_wait3A_172 = tpu.memref_slice %arg6[%dma_wait3A_170, %dma_wait3A_171] : memref<800x64xf32, #tpu.memory_space<vmem>> -> memref<80x64xf32, #tpu.memory_space<vmem>>
    %dma_wait3A_173 = arith.constant 0 : i32
    %dma_wait3A_174 = tpu.memref_slice %arg5[%dma_wait3A_169, %dma_wait3A_173] : memref<10x80xi32, #tpu.memory_space<vmem>> -> memref<1x80xi32, #tpu.memory_space<vmem>>
    %dma_wait3A_175 = tpu.memref_squeeze %dma_wait3A_174 : memref<1x80xi32, #tpu.memory_space<vmem>> -> memref<80xi32, #tpu.memory_space<vmem>>
    %dma_wait3A_176 = arith.constant 0 : i32
    %dma_wait3A_177 = arith.constant 0 : i32
    %dma_wait3A_178 = tpu.memref_slice %arg2[%dma_wait3A_176, %dma_wait3A_177] : memref<100000x64xf32, #tpu.memory_space<hbm>> -> memref<100000x64xf32, #tpu.memory_space<hbm>>
    tpu.wait_indirect_dma semaphore(%arg7 : memref<!tpu.dma_semaphore, #tpu.memory_space<semaphore_mem>>) src(%dma_wait3A_178 : memref<100000x64xf32, #tpu.memory_space<hbm>>) dst(%dma_wait3A_172 : memref<80x64xf32, #tpu.memory_space<vmem>>)
    %dma_wait3A_179 = arith.constant 8 : i32
    %dma_wait3A_180 = arith.constant 640 : i32
    %dma_wait3A_181 = arith.constant 0 : i32
    %dma_wait3A_182 = tpu.memref_slice %arg6[%dma_wait3A_180, %dma_wait3A_181] : memref<800x64xf32, #tpu.memory_space<vmem>> -> memref<80x64xf32, #tpu.memory_space<vmem>>
    %dma_wait3A_183 = arith.constant 0 : i32
    %dma_wait3A_184 = tpu.memref_slice %arg5[%dma_wait3A_179, %dma_wait3A_183] : memref<10x80xi32, #tpu.memory_space<vmem>> -> memref<1x80xi32, #tpu.memory_space<vmem>>
    %dma_wait3A_185 = tpu.memref_squeeze %dma_wait3A_184 : memref<1x80xi32, #tpu.memory_space<vmem>> -> memref<80xi32, #tpu.memory_space<vmem>>
    %dma_wait3A_186 = arith.constant 0 : i32
    %dma_wait3A_187 = arith.constant 0 : i32
    %dma_wait3A_188 = tpu.memref_slice %arg2[%dma_wait3A_186, %dma_wait3A_187] : memref<100000x64xf32, #tpu.memory_space<hbm>> -> memref<100000x64xf32, #tpu.memory_space<hbm>>
    tpu.wait_indirect_dma semaphore(%arg7 : memref<!tpu.dma_semaphore, #tpu.memory_space<semaphore_mem>>) src(%dma_wait3A_188 : memref<100000x64xf32, #tpu.memory_space<hbm>>) dst(%dma_wait3A_182 : memref<80x64xf32, #tpu.memory_space<vmem>>)
    %dma_wait3A_189 = arith.constant 9 : i32
    %dma_wait3A_190 = arith.constant 720 : i32
    %dma_wait3A_191 = arith.constant 0 : i32
    %dma_wait3A_192 = tpu.memref_slice %arg6[%dma_wait3A_190, %dma_wait3A_191] : memref<800x64xf32, #tpu.memory_space<vmem>> -> memref<80x64xf32, #tpu.memory_space<vmem>>
    %dma_wait3A_193 = arith.constant 0 : i32
    %dma_wait3A_194 = tpu.memref_slice %arg5[%dma_wait3A_189, %dma_wait3A_193] : memref<10x80xi32, #tpu.memory_space<vmem>> -> memref<1x80xi32, #tpu.memory_space<vmem>>
    %dma_wait3A_195 = tpu.memref_squeeze %dma_wait3A_194 : memref<1x80xi32, #tpu.memory_space<vmem>> -> memref<80xi32, #tpu.memory_space<vmem>>
    %dma_wait3A_196 = arith.constant 0 : i32
    %dma_wait3A_197 = arith.constant 0 : i32
    %dma_wait3A_198 = tpu.memref_slice %arg2[%dma_wait3A_196, %dma_wait3A_197] : memref<100000x64xf32, #tpu.memory_space<hbm>> -> memref<100000x64xf32, #tpu.memory_space<hbm>>
    tpu.wait_indirect_dma semaphore(%arg7 : memref<!tpu.dma_semaphore, #tpu.memory_space<semaphore_mem>>) src(%dma_wait3A_198 : memref<100000x64xf32, #tpu.memory_space<hbm>>) dst(%dma_wait3A_192 : memref<80x64xf32, #tpu.memory_space<vmem>>)
    %mul3A_199 = arith.constant 800 : i32
    %mul3A_200 = arith.muli %add3A, %mul3A_199 : i32
    "tpu.region"() ({
      %run_scoped3A = tpu.sem_alloc : memref<!tpu.dma_semaphore, #tpu.memory_space<semaphore_mem>>
      %dma_start3A_201 = arith.constant 0 : i32
      %dma_start3A_202 = tpu.memref_slice %arg4[%mul3A_200, %dma_start3A_201] : memref<25600x64xf32, #tpu.memory_space<hbm>> -> memref<800x64xf32, #tpu.memory_space<hbm>>
      %dma_start3A_203 = arith.constant 0 : i32
      %dma_start3A_204 = tpu.memref_slice %arg4[%mul3A_200, %dma_start3A_203] : memref<25600x64xf32, #tpu.memory_space<hbm>> -> memref<800x64xf32, #tpu.memory_space<hbm>>
      tpu.enqueue_dma source(%arg6 : memref<800x64xf32, #tpu.memory_space<vmem>>) target(%dma_start3A_204 : memref<800x64xf32, #tpu.memory_space<hbm>>) target_semaphore(%run_scoped3A : memref<!tpu.dma_semaphore, #tpu.memory_space<semaphore_mem>>)
      %dma_wait3A_205 = arith.constant 0 : i32
      %dma_wait3A_206 = tpu.memref_slice %arg4[%mul3A_200, %dma_wait3A_205] : memref<25600x64xf32, #tpu.memory_space<hbm>> -> memref<800x64xf32, #tpu.memory_space<hbm>>
      %dma_wait3A_207 = arith.constant 0 : i32
      %dma_wait3A_208 = tpu.memref_slice %arg4[%mul3A_200, %dma_wait3A_207] : memref<25600x64xf32, #tpu.memory_space<hbm>> -> memref<800x64xf32, #tpu.memory_space<hbm>>
      tpu.wait_dma2 semaphore(%run_scoped3A : memref<!tpu.dma_semaphore, #tpu.memory_space<semaphore_mem>>) src(%arg6 : memref<800x64xf32, #tpu.memory_space<vmem>>) dst(%dma_wait3A_208 : memref<800x64xf32, #tpu.memory_space<hbm>>)
      tpu.yield
    }) : () -> ()
    return
  }
}

module attributes {stable_mosaic.version = 14 : i64} {
  func.func @_tc_body(%arg0: i32, %arg1: memref<100x4096xf32, #tpu.memory_space<vmem>>, %arg2: memref<2x1600xi32, #tpu.memory_space<vmem>>, %arg3: memref<1600x2xi32, #tpu.memory_space<vmem>>, %arg4: memref<64x64xf32, #tpu.memory_space<vmem>>, %arg5: memref<64x64xf32, #tpu.memory_space<vmem>>, %arg6: memref<128x64xf32, #tpu.memory_space<vmem>>, %arg7: memref<128x64xf32, #tpu.memory_space<vmem>>, %arg8: memref<1x64xf32, #tpu.memory_space<vmem>>, %arg9: memref<1x64xf32, #tpu.memory_space<vmem>>, %arg10: memref<1x64xf32, #tpu.memory_space<vmem>>, %arg11: memref<1x64xf32, #tpu.memory_space<vmem>>, %arg12: memref<1x37xf32, #tpu.memory_space<vmem>>, %arg13: memref<128x2xi32, #tpu.memory_space<vmem>>, %arg14: memref<64x128xf32, #tpu.memory_space<vmem>>, %arg15: memref<1x128xf32, #tpu.memory_space<vmem>>, %arg16: memref<128x1xf32, #tpu.memory_space<vmem>>, %arg17: memref<1x1xf32, #tpu.memory_space<vmem>>, %arg18: memref<128x2xf32, #tpu.memory_space<vmem>>, %arg19: memref<100x100xf32, #tpu.memory_space<vmem>>, %arg20: memref<128x256xf32, #tpu.memory_space<vmem>>, %arg21: memref<1x256xf32, #tpu.memory_space<vmem>>, %arg22: memref<128x128xf32, #tpu.memory_space<vmem>>, %arg23: memref<128x128xf32, #tpu.memory_space<vmem>>) attributes {dimension_semantics = [#tpu.dimension_semantics<arbitrary>], iteration_bounds = array<i64: 4>, scalar_prefetch = 0 : i64, scratch_operands = 5 : i64, tpu.core_type = #tpu.core_type<tc>, window_params = [{transform_indices = @transform_0, window_bounds = array<i64: 100, 4096>}, {pipeline_mode = #tpu.pipeline_mode<synchronous>, transform_indices = @transform_1, window_bounds = array<i64: 2, 1600>}, {pipeline_mode = #tpu.pipeline_mode<synchronous>, transform_indices = @transform_2, window_bounds = array<i64: 1600, 2>}, {pipeline_mode = #tpu.pipeline_mode<synchronous>, transform_indices = @transform_3, window_bounds = array<i64: 64, 64>}, {pipeline_mode = #tpu.pipeline_mode<synchronous>, transform_indices = @transform_4, window_bounds = array<i64: 64, 64>}, {pipeline_mode = #tpu.pipeline_mode<synchronous>, transform_indices = @transform_5, window_bounds = array<i64: 128, 64>}, {pipeline_mode = #tpu.pipeline_mode<synchronous>, transform_indices = @transform_6, window_bounds = array<i64: 128, 64>}, {pipeline_mode = #tpu.pipeline_mode<synchronous>, transform_indices = @transform_7, window_bounds = array<i64: 1, 64>}, {pipeline_mode = #tpu.pipeline_mode<synchronous>, transform_indices = @transform_8, window_bounds = array<i64: 1, 64>}, {pipeline_mode = #tpu.pipeline_mode<synchronous>, transform_indices = @transform_9, window_bounds = array<i64: 1, 64>}, {pipeline_mode = #tpu.pipeline_mode<synchronous>, transform_indices = @transform_10, window_bounds = array<i64: 1, 64>}, {pipeline_mode = #tpu.pipeline_mode<synchronous>, transform_indices = @transform_11, window_bounds = array<i64: 1, 37>}, {pipeline_mode = #tpu.pipeline_mode<synchronous>, transform_indices = @transform_12, window_bounds = array<i64: 128, 2>}, {pipeline_mode = #tpu.pipeline_mode<synchronous>, transform_indices = @transform_13, window_bounds = array<i64: 64, 128>}, {pipeline_mode = #tpu.pipeline_mode<synchronous>, transform_indices = @transform_14, window_bounds = array<i64: 1, 128>}, {pipeline_mode = #tpu.pipeline_mode<synchronous>, transform_indices = @transform_15, window_bounds = array<i64: 128, 1>}, {pipeline_mode = #tpu.pipeline_mode<synchronous>, transform_indices = @transform_16, window_bounds = array<i64: 1, 1>}, {pipeline_mode = #tpu.pipeline_mode<synchronous>, transform_indices = @transform_17, window_bounds = array<i64: 128, 2>}]} {
    %eq3A = arith.constant 0 : i32
    %eq3A_0 = arith.cmpi eq, %arg0, %eq3A : i32
    %convert_element_type3A = arith.extui %eq3A_0 : i1 to i32
    %cond3A = arith.constant 0 : i32
    %cond3A_1 = arith.cmpi ne, %convert_element_type3A, %cond3A : i32
    scf.if %cond3A_1 {
      %get3A_1240 = arith.constant 1 : index
      %get3A_1241 = arith.constant 0 : index
      %get3A_1242 = vector.load %arg2[%get3A_1240, %get3A_1241] : memref<2x1600xi32, #tpu.memory_space<vmem>>, vector<1x1600xi32>
      %get3A_1243 = arith.constant 0 : index
      %get3A_1244 = arith.constant 0 : index
      %get3A_1245 = vector.load %arg3[%get3A_1243, %get3A_1244] : memref<1600x2xi32, #tpu.memory_space<vmem>>, vector<1600x1xi32>
      %get3A_1246 = arith.constant 0 : index
      %get3A_1247 = arith.constant 1 : index
      %get3A_1248 = vector.load %arg3[%get3A_1246, %get3A_1247] : memref<1600x2xi32, #tpu.memory_space<vmem>>, vector<1600x1xi32>
      %iota3A_1249 = tpu.iota {dimensions = array<i32: 0>} : vector<100x1600xi32>
      %iota3A_1250 = tpu.iota {dimensions = array<i32: 1>} : vector<1600x100xi32>
      %eq3A_1251 = vector.broadcast %get3A_1242 : vector<1x1600xi32> to vector<100x1600xi32>
      %eq3A_1252 = arith.cmpi eq, %iota3A_1249, %eq3A_1251 : vector<100x1600xi32>
      %jit3A_1253 = arith.constant 1.000000e+00 : f32
      %jit3A_1254 = arith.constant 0.000000e+00 : f32
      %broadcast_in_dim3A_1255 = vector.broadcast %jit3A_1253 : f32 to vector<100x1600xf32>
      %broadcast_in_dim3A_1256 = vector.broadcast %jit3A_1254 : f32 to vector<100x1600xf32>
      %select_n3A_1257 = arith.select %eq3A_1252, %broadcast_in_dim3A_1255, %broadcast_in_dim3A_1256 : vector<100x1600xi1>, vector<100x1600xf32>
      %eq3A_1258 = vector.broadcast %get3A_1245 : vector<1600x1xi32> to vector<1600x100xi32>
      %eq3A_1259 = arith.cmpi eq, %iota3A_1250, %eq3A_1258 : vector<1600x100xi32>
      %jit3A_1260 = arith.constant 1.000000e+00 : f32
      %jit3A_1261 = arith.constant 0.000000e+00 : f32
      %broadcast_in_dim3A_1262 = vector.broadcast %jit3A_1260 : f32 to vector<1600x100xf32>
      %broadcast_in_dim3A_1263 = vector.broadcast %jit3A_1261 : f32 to vector<1600x100xf32>
      %select_n3A_1264 = arith.select %eq3A_1259, %broadcast_in_dim3A_1262, %broadcast_in_dim3A_1263 : vector<1600x100xi1>, vector<1600x100xf32>
      %eq3A_1265 = vector.broadcast %get3A_1248 : vector<1600x1xi32> to vector<1600x100xi32>
      %eq3A_1266 = arith.cmpi eq, %iota3A_1250, %eq3A_1265 : vector<1600x100xi32>
      %jit3A_1267 = arith.constant 1.000000e+00 : f32
      %jit3A_1268 = arith.constant 0.000000e+00 : f32
      %broadcast_in_dim3A_1269 = vector.broadcast %jit3A_1267 : f32 to vector<1600x100xf32>
      %broadcast_in_dim3A_1270 = vector.broadcast %jit3A_1268 : f32 to vector<1600x100xf32>
      %select_n3A_1271 = arith.select %eq3A_1266, %broadcast_in_dim3A_1269, %broadcast_in_dim3A_1270 : vector<1600x100xi1>, vector<1600x100xf32>
      %iota3A_1272 = tpu.iota {dimensions = array<i32: 0>} : vector<100x100xi32>
      %iota3A_1273 = tpu.iota {dimensions = array<i32: 1>} : vector<100x100xi32>
      %eq3A_1274 = arith.cmpi eq, %iota3A_1272, %iota3A_1273 : vector<100x100xi32>
      %jit3A_1275 = arith.constant 1.000000e+00 : f32
      %jit3A_1276 = arith.constant 0.000000e+00 : f32
      %broadcast_in_dim3A_1277 = vector.broadcast %jit3A_1275 : f32 to vector<100x100xf32>
      %broadcast_in_dim3A_1278 = vector.broadcast %jit3A_1276 : f32 to vector<100x100xf32>
      %select_n3A_1279 = arith.select %eq3A_1274, %broadcast_in_dim3A_1277, %broadcast_in_dim3A_1278 : vector<100x100xi1>, vector<100x100xf32>
      %dot_general3A_1280 = arith.constant dense<0.000000e+00> : vector<100x100xf32>
      %dot_general3A_1281 = tpu.matmul %select_n3A_1257, %select_n3A_1264, %dot_general3A_1280 {dimension_numbers = #tpu.dot_dimension_numbers<[1], [0], [0], [1], [0, 0, 1, 1], [], []>, transpose_lhs_hint = false} : vector<100x1600xf32>, vector<1600x100xf32>, vector<100x100xf32> -> vector<100x100xf32>
      %add3A_1282 = arith.addf %dot_general3A_1281, %select_n3A_1279 : vector<100x100xf32>
      %broadcast_in_dim3A_1283 = arith.constant 1.000000e+00 : f32
      %broadcast_in_dim3A_1284 = vector.broadcast %broadcast_in_dim3A_1283 : f32 to vector<1600x1xf32>
      %dot_general3A_1285 = arith.constant dense<0.000000e+00> : vector<100x1xf32>
      %dot_general3A_1286 = tpu.matmul %select_n3A_1257, %broadcast_in_dim3A_1284, %dot_general3A_1285 {dimension_numbers = #tpu.dot_dimension_numbers<[1], [0], [0], [1], [0, 0, 1, 1], [], []>, transpose_lhs_hint = false} : vector<100x1600xf32>, vector<1600x1xf32>, vector<100x1xf32> -> vector<100x1xf32>
      %add3A_1287 = arith.constant 1.000000e+00 : f32
      %add3A_1288 = vector.broadcast %add3A_1287 : f32 to vector<100x1xf32>
      %add3A_1289 = arith.addf %dot_general3A_1286, %add3A_1288 : vector<100x1xf32>
      %broadcast_in_dim3A_1290 = arith.constant 1.000000e+00 : f32
      %broadcast_in_dim3A_1291 = vector.broadcast %broadcast_in_dim3A_1290 : f32 to vector<1x1600xf32>
      %dot_general3A_1292 = arith.constant dense<0.000000e+00> : vector<1x100xf32>
      %dot_general3A_1293 = tpu.matmul %broadcast_in_dim3A_1291, %select_n3A_1271, %dot_general3A_1292 {dimension_numbers = #tpu.dot_dimension_numbers<[1], [0], [0], [1], [0, 0, 1, 1], [], []>, transpose_lhs_hint = false} : vector<1x1600xf32>, vector<1600x100xf32>, vector<1x100xf32> -> vector<1x100xf32>
      %add3A_1294 = arith.constant 1.000000e+00 : f32
      %add3A_1295 = vector.broadcast %add3A_1294 : f32 to vector<1x100xf32>
      %add3A_1296 = arith.addf %dot_general3A_1293, %add3A_1295 : vector<1x100xf32>
      %gt3A = arith.constant 0.000000e+00 : f32
      %gt3A_1297 = vector.broadcast %gt3A : f32 to vector<100x1xf32>
      %gt3A_1298 = arith.cmpf ogt, %add3A_1289, %gt3A_1297 : vector<100x1xf32>
      %rsqrt3A = math.rsqrt %add3A_1289 : vector<100x1xf32>
      %jit3A_1299 = arith.constant 0.000000e+00 : f32
      %broadcast_in_dim3A_1300 = vector.broadcast %jit3A_1299 : f32 to vector<100x1xf32>
      %select_n3A_1301 = arith.select %gt3A_1298, %rsqrt3A, %broadcast_in_dim3A_1300 : vector<100x1xi1>, vector<100x1xf32>
      %gt3A_1302 = arith.constant 0.000000e+00 : f32
      %gt3A_1303 = vector.broadcast %gt3A_1302 : f32 to vector<1x100xf32>
      %gt3A_1304 = arith.cmpf ogt, %add3A_1296, %gt3A_1303 : vector<1x100xf32>
      %rsqrt3A_1305 = math.rsqrt %add3A_1296 : vector<1x100xf32>
      %jit3A_1306 = arith.constant 0.000000e+00 : f32
      %broadcast_in_dim3A_1307 = vector.broadcast %jit3A_1306 : f32 to vector<1x100xf32>
      %select_n3A_1308 = arith.select %gt3A_1304, %rsqrt3A_1305, %broadcast_in_dim3A_1307 : vector<1x100xi1>, vector<1x100xf32>
      %mul3A_1309 = vector.broadcast %select_n3A_1301 : vector<100x1xf32> to vector<100x100xf32>
      %mul3A_1310 = arith.mulf %add3A_1282, %mul3A_1309 : vector<100x100xf32>
      %mul3A_1311 = vector.broadcast %select_n3A_1308 : vector<1x100xf32> to vector<100x100xf32>
      %mul3A_1312 = arith.mulf %mul3A_1310, %mul3A_1311 : vector<100x100xf32>
      %swap3A_1313 = arith.constant 0 : index
      %swap3A_1314 = arith.constant 0 : index
      %swap3A_1315 = vector.load %arg19[%swap3A_1313, %swap3A_1314] : memref<100x100xf32, #tpu.memory_space<vmem>>, vector<100x100xf32>
      tpu.vector_store %arg19[%swap3A_1313, %swap3A_1314], %mul3A_1312 {strides = array<i32>} : memref<100x100xf32, #tpu.memory_space<vmem>>, vector<100x100xf32>,
      %get3A_1316 = arith.constant 0 : index
      %get3A_1317 = arith.constant 0 : index
      %get3A_1318 = vector.load %arg6[%get3A_1316, %get3A_1317] : memref<128x64xf32, #tpu.memory_space<vmem>>, vector<64x64xf32>
      %get3A_1319 = arith.constant 0 : index
      %get3A_1320 = arith.constant 0 : index
      %get3A_1321 = vector.load %arg7[%get3A_1319, %get3A_1320] : memref<128x64xf32, #tpu.memory_space<vmem>>, vector<64x64xf32>
      %get3A_1322 = arith.constant 0 : index
      %get3A_1323 = arith.constant 0 : index
      %get3A_1324 = vector.load %arg4[%get3A_1322, %get3A_1323] : memref<64x64xf32, #tpu.memory_space<vmem>>, vector<64x64xf32>
      %dot_general3A_1325 = arith.constant dense<0.000000e+00> : vector<64x64xf32>
      %dot_general3A_1326 = tpu.matmul %get3A_1324, %get3A_1318, %dot_general3A_1325 {dimension_numbers = #tpu.dot_dimension_numbers<[1], [0], [0], [1], [0, 0, 1, 1], [], []>, transpose_lhs_hint = false} : vector<64x64xf32>, vector<64x64xf32>, vector<64x64xf32> -> vector<64x64xf32>
      %broadcast_in_dim3A_1327 = arith.constant 0.000000e+00 : f32
      %broadcast_in_dim3A_1328 = vector.broadcast %broadcast_in_dim3A_1327 : f32 to vector<64x64xf32>
      %concatenate3A_1329 = tpu.concatenate %dot_general3A_1326, %broadcast_in_dim3A_1328 in 1 : vector<64x64xf32>, vector<64x64xf32> -> vector<64x128xf32>
      %concatenate3A_1330 = tpu.concatenate %broadcast_in_dim3A_1328, %dot_general3A_1326 in 1 : vector<64x64xf32>, vector<64x64xf32> -> vector<64x128xf32>
      %concatenate3A_1331 = tpu.concatenate %concatenate3A_1329, %concatenate3A_1330 in 0 : vector<64x128xf32>, vector<64x128xf32> -> vector<128x128xf32>
      %get3A_1332 = arith.constant 0 : index
      %get3A_1333 = arith.constant 0 : index
      %get3A_1334 = vector.load %arg5[%get3A_1332, %get3A_1333] : memref<64x64xf32, #tpu.memory_space<vmem>>, vector<64x64xf32>
      %dot_general3A_1335 = arith.constant dense<0.000000e+00> : vector<64x64xf32>
      %dot_general3A_1336 = tpu.matmul %get3A_1334, %get3A_1321, %dot_general3A_1335 {dimension_numbers = #tpu.dot_dimension_numbers<[1], [0], [0], [1], [0, 0, 1, 1], [], []>, transpose_lhs_hint = false} : vector<64x64xf32>, vector<64x64xf32>, vector<64x64xf32> -> vector<64x64xf32>
      %broadcast_in_dim3A_1337 = arith.constant 0.000000e+00 : f32
      %broadcast_in_dim3A_1338 = vector.broadcast %broadcast_in_dim3A_1337 : f32 to vector<64x64xf32>
      %concatenate3A_1339 = tpu.concatenate %dot_general3A_1336, %broadcast_in_dim3A_1338 in 1 : vector<64x64xf32>, vector<64x64xf32> -> vector<64x128xf32>
      %concatenate3A_1340 = tpu.concatenate %broadcast_in_dim3A_1338, %dot_general3A_1336 in 1 : vector<64x64xf32>, vector<64x64xf32> -> vector<64x128xf32>
      %concatenate3A_1341 = tpu.concatenate %concatenate3A_1339, %concatenate3A_1340 in 0 : vector<64x128xf32>, vector<64x128xf32> -> vector<128x128xf32>
      %concatenate3A_1342 = tpu.concatenate %concatenate3A_1331, %concatenate3A_1341 in 1 : vector<128x128xf32>, vector<128x128xf32> -> vector<128x256xf32>
      %swap3A_1343 = arith.constant 0 : index
      %swap3A_1344 = arith.constant 0 : index
      %swap3A_1345 = vector.load %arg20[%swap3A_1343, %swap3A_1344] : memref<128x256xf32, #tpu.memory_space<vmem>>, vector<128x256xf32>
      tpu.vector_store %arg20[%swap3A_1343, %swap3A_1344], %concatenate3A_1342 {strides = array<i32>} : memref<128x256xf32, #tpu.memory_space<vmem>>, vector<128x256xf32>,
      %get3A_1346 = arith.constant 0 : index
      %get3A_1347 = arith.constant 0 : index
      %get3A_1348 = vector.load %arg8[%get3A_1346, %get3A_1347] : memref<1x64xf32, #tpu.memory_space<vmem>>, vector<1x64xf32>
      %dot_general3A_1349 = arith.constant dense<0.000000e+00> : vector<1x64xf32>
      %dot_general3A_1350 = tpu.matmul %get3A_1348, %get3A_1318, %dot_general3A_1349 {dimension_numbers = #tpu.dot_dimension_numbers<[1], [0], [0], [1], [0, 0, 1, 1], [], []>, transpose_lhs_hint = false} : vector<1x64xf32>, vector<64x64xf32>, vector<1x64xf32> -> vector<1x64xf32>
      %get3A_1351 = arith.constant 0 : index
      %get3A_1352 = arith.constant 0 : index
      %get3A_1353 = vector.load %arg10[%get3A_1351, %get3A_1352] : memref<1x64xf32, #tpu.memory_space<vmem>>, vector<1x64xf32>
      %add3A_1354 = arith.addf %dot_general3A_1350, %get3A_1353 : vector<1x64xf32>
      %get3A_1355 = arith.constant 0 : index
      %get3A_1356 = arith.constant 0 : index
      %get3A_1357 = vector.load %arg9[%get3A_1355, %get3A_1356] : memref<1x64xf32, #tpu.memory_space<vmem>>, vector<1x64xf32>
      %dot_general3A_1358 = arith.constant dense<0.000000e+00> : vector<1x64xf32>
      %dot_general3A_1359 = tpu.matmul %get3A_1357, %get3A_1321, %dot_general3A_1358 {dimension_numbers = #tpu.dot_dimension_numbers<[1], [0], [0], [1], [0, 0, 1, 1], [], []>, transpose_lhs_hint = false} : vector<1x64xf32>, vector<64x64xf32>, vector<1x64xf32> -> vector<1x64xf32>
      %get3A_1360 = arith.constant 0 : index
      %get3A_1361 = arith.constant 0 : index
      %get3A_1362 = vector.load %arg11[%get3A_1360, %get3A_1361] : memref<1x64xf32, #tpu.memory_space<vmem>>, vector<1x64xf32>
      %add3A_1363 = arith.addf %dot_general3A_1359, %get3A_1362 : vector<1x64xf32>
      %concatenate3A_1364 = tpu.concatenate %add3A_1354, %add3A_1354, %add3A_1363, %add3A_1363 in 1 : vector<1x64xf32>, vector<1x64xf32>, vector<1x64xf32>, vector<1x64xf32> -> vector<1x256xf32>
      %swap3A_1365 = arith.constant 0 : index
      %swap3A_1366 = arith.constant 0 : index
      %swap3A_1367 = vector.load %arg21[%swap3A_1365, %swap3A_1366] : memref<1x256xf32, #tpu.memory_space<vmem>>, vector<1x256xf32>
      tpu.vector_store %arg21[%swap3A_1365, %swap3A_1366], %concatenate3A_1364 {strides = array<i32>} : memref<1x256xf32, #tpu.memory_space<vmem>>, vector<1x256xf32>,
    } else {
    }
    %iota3A = tpu.iota {dimensions = array<i32: 0>} : vector<100x1xi32>
    %lt3A = arith.constant 50 : i32
    %lt3A_2 = vector.broadcast %lt3A : i32 to vector<100x1xi32>
    %lt3A_3 = arith.cmpi slt, %iota3A, %lt3A_2 : vector<100x1xi32>
    %jit3A = arith.constant 1.000000e+00 : f32
    %jit3A_4 = arith.constant 0.000000e+00 : f32
    %broadcast_in_dim3A = vector.broadcast %jit3A : f32 to vector<100x1xf32>
    %broadcast_in_dim3A_5 = vector.broadcast %jit3A_4 : f32 to vector<100x1xf32>
    %select_n3A = arith.select %lt3A_3, %broadcast_in_dim3A, %broadcast_in_dim3A_5 : vector<100x1xi1>, vector<100x1xf32>
    %get3A = arith.constant 0 : index
    %get3A_6 = arith.constant 0 : index
    %get3A_7 = vector.load %arg19[%get3A, %get3A_6] : memref<100x100xf32, #tpu.memory_space<vmem>>, vector<100x100xf32>
    %get3A_8 = arith.constant 0 : index
    %get3A_9 = arith.constant 0 : index
    %get3A_10 = vector.load %arg1[%get3A_8, %get3A_9] : memref<100x4096xf32, #tpu.memory_space<vmem>>, vector<100x4096xf32>
    %dot_general3A = arith.constant dense<0.000000e+00> : vector<100x4096xf32>
    %dot_general3A_11 = tpu.matmul %get3A_7, %get3A_10, %dot_general3A {dimension_numbers = #tpu.dot_dimension_numbers<[1], [0], [0], [1], [0, 0, 1, 1], [], []>, transpose_lhs_hint = false} : vector<100x100xf32>, vector<100x4096xf32>, vector<100x4096xf32> -> vector<100x4096xf32>
    %get3A_12 = arith.constant 0 : index
    %get3A_13 = arith.constant 0 : index
    %get3A_14 = vector.load %arg21[%get3A_12, %get3A_13] : memref<1x256xf32, #tpu.memory_space<vmem>>, vector<1x256xf32>
    %slice3A = vector.extract_strided_slice %dot_general3A_11 {offsets = [0, 0], sizes = [100, 128], strides = [1, 1]} : vector<100x4096xf32> to vector<100x128xf32>
    %get3A_15 = arith.constant 0 : index
    %get3A_16 = arith.constant 0 : index
    %get3A_17 = vector.load %arg20[%get3A_15, %get3A_16] : memref<128x256xf32, #tpu.memory_space<vmem>>, vector<128x256xf32>
    %dot_general3A_18 = arith.constant dense<0.000000e+00> : vector<100x256xf32>
    %dot_general3A_19 = tpu.matmul %slice3A, %get3A_17, %dot_general3A_18 {dimension_numbers = #tpu.dot_dimension_numbers<[1], [0], [0], [1], [0, 0, 1, 1], [], []>, transpose_lhs_hint = false} : vector<100x128xf32>, vector<128x256xf32>, vector<100x256xf32> -> vector<100x256xf32>
    %add3A = vector.broadcast %get3A_14 : vector<1x256xf32> to vector<100x256xf32>
    %add3A_20 = arith.addf %dot_general3A_19, %add3A : vector<100x256xf32>
    %slice3A_21 = vector.extract_strided_slice %add3A_20 {offsets = [0, 0], sizes = [100, 128], strides = [1, 1]} : vector<100x256xf32> to vector<100x128xf32>
    %mul3A = arith.constant 5.000000e-01 : f32
    %mul3A_22 = vector.broadcast %mul3A : f32 to vector<100x128xf32>
    %mul3A_23 = arith.mulf %mul3A_22, %slice3A_21 : vector<100x128xf32>
    %tanh3A = math.tanh %mul3A_23 : vector<100x128xf32>
    %add3A_24 = arith.constant 1.000000e+00 : f32
    %add3A_25 = vector.broadcast %add3A_24 : f32 to vector<100x128xf32>
    %add3A_26 = arith.addf %add3A_25, %tanh3A : vector<100x128xf32>
    %mul3A_27 = arith.constant 5.000000e-01 : f32
    %mul3A_28 = vector.broadcast %mul3A_27 : f32 to vector<100x128xf32>
    %mul3A_29 = arith.mulf %mul3A_28, %add3A_26 : vector<100x128xf32>
    %slice3A_30 = vector.extract_strided_slice %add3A_20 {offsets = [0, 128], sizes = [100, 128], strides = [1, 1]} : vector<100x256xf32> to vector<100x128xf32>
    %tanh3A_31 = math.tanh %slice3A_30 : vector<100x128xf32>
    %sub3A = arith.constant 1.000000e+00 : f32
    %sub3A_32 = vector.broadcast %sub3A : f32 to vector<100x128xf32>
    %sub3A_33 = arith.subf %sub3A_32, %mul3A_29 : vector<100x128xf32>
    %mul3A_34 = arith.mulf %sub3A_33, %tanh3A_31 : vector<100x128xf32>
    %mul3A_35 = vector.broadcast %select_n3A : vector<100x1xf32> to vector<100x128xf32>
    %mul3A_36 = arith.mulf %mul3A_34, %mul3A_35 : vector<100x128xf32>
    %reduce_sum3A = arith.constant dense<0.000000e+00> : vector<128xf32>
    %reduce_sum3A_37 = vector.multi_reduction <add>, %mul3A_36, %reduce_sum3A [0] : vector<100x128xf32> to vector<128xf32>
    %broadcast_in_dim3A_38 = vector.shape_cast %reduce_sum3A_37 : vector<128xf32> to vector<1x128xf32>
    %sub3A_39 = arith.constant 1.000000e+00 : f32
    %sub3A_40 = vector.broadcast %sub3A_39 : f32 to vector<100x1xf32>
    %sub3A_41 = arith.subf %sub3A_40, %select_n3A : vector<100x1xf32>
    %mul3A_42 = vector.broadcast %sub3A_41 : vector<100x1xf32> to vector<100x128xf32>
    %mul3A_43 = arith.mulf %mul3A_34, %mul3A_42 : vector<100x128xf32>
    %reduce_sum3A_44 = arith.constant dense<0.000000e+00> : vector<128xf32>
    %reduce_sum3A_45 = vector.multi_reduction <add>, %mul3A_43, %reduce_sum3A_44 [0] : vector<100x128xf32> to vector<128xf32>
    %broadcast_in_dim3A_46 = vector.shape_cast %reduce_sum3A_45 : vector<128xf32> to vector<1x128xf32>
    %slice3A_47 = vector.extract_strided_slice %dot_general3A_11 {offsets = [0, 128], sizes = [100, 128], strides = [1, 1]} : vector<100x4096xf32> to vector<100x128xf32>
    %get3A_48 = arith.constant 0 : index
    %get3A_49 = arith.constant 0 : index
    %get3A_50 = vector.load %arg20[%get3A_48, %get3A_49] : memref<128x256xf32, #tpu.memory_space<vmem>>, vector<128x256xf32>
    %dot_general3A_51 = arith.constant dense<0.000000e+00> : vector<100x256xf32>
    %dot_general3A_52 = tpu.matmul %slice3A_47, %get3A_50, %dot_general3A_51 {dimension_numbers = #tpu.dot_dimension_numbers<[1], [0], [0], [1], [0, 0, 1, 1], [], []>, transpose_lhs_hint = false} : vector<100x128xf32>, vector<128x256xf32>, vector<100x256xf32> -> vector<100x256xf32>
    %add3A_53 = vector.broadcast %get3A_14 : vector<1x256xf32> to vector<100x256xf32>
    %add3A_54 = arith.addf %dot_general3A_52, %add3A_53 : vector<100x256xf32>
    %slice3A_55 = vector.extract_strided_slice %add3A_54 {offsets = [0, 0], sizes = [100, 128], strides = [1, 1]} : vector<100x256xf32> to vector<100x128xf32>
    %mul3A_56 = arith.constant 5.000000e-01 : f32
    %mul3A_57 = vector.broadcast %mul3A_56 : f32 to vector<100x128xf32>
    %mul3A_58 = arith.mulf %mul3A_57, %slice3A_55 : vector<100x128xf32>
    %tanh3A_59 = math.tanh %mul3A_58 : vector<100x128xf32>
    %add3A_60 = arith.constant 1.000000e+00 : f32
    %add3A_61 = vector.broadcast %add3A_60 : f32 to vector<100x128xf32>
    %add3A_62 = arith.addf %add3A_61, %tanh3A_59 : vector<100x128xf32>
    %mul3A_63 = arith.constant 5.000000e-01 : f32
    %mul3A_64 = vector.broadcast %mul3A_63 : f32 to vector<100x128xf32>
    %mul3A_65 = arith.mulf %mul3A_64, %add3A_62 : vector<100x128xf32>
    %slice3A_66 = vector.extract_strided_slice %add3A_54 {offsets = [0, 128], sizes = [100, 128], strides = [1, 1]} : vector<100x256xf32> to vector<100x128xf32>
    %tanh3A_67 = math.tanh %slice3A_66 : vector<100x128xf32>
    %sub3A_68 = arith.constant 1.000000e+00 : f32
    %sub3A_69 = vector.broadcast %sub3A_68 : f32 to vector<100x128xf32>
    %sub3A_70 = arith.subf %sub3A_69, %mul3A_65 : vector<100x128xf32>
    %mul3A_71 = arith.mulf %sub3A_70, %tanh3A_67 : vector<100x128xf32>
    %mul3A_72 = vector.broadcast %select_n3A : vector<100x1xf32> to vector<100x128xf32>
    %mul3A_73 = arith.mulf %mul3A_71, %mul3A_72 : vector<100x128xf32>
    %reduce_sum3A_74 = arith.constant dense<0.000000e+00> : vector<128xf32>
    %reduce_sum3A_75 = vector.multi_reduction <add>, %mul3A_73, %reduce_sum3A_74 [0] : vector<100x128xf32> to vector<128xf32>
    %broadcast_in_dim3A_76 = vector.shape_cast %reduce_sum3A_75 : vector<128xf32> to vector<1x128xf32>
    %sub3A_77 = arith.constant 1.000000e+00 : f32
    %sub3A_78 = vector.broadcast %sub3A_77 : f32 to vector<100x1xf32>
    %sub3A_79 = arith.subf %sub3A_78, %select_n3A : vector<100x1xf32>
    %mul3A_80 = vector.broadcast %sub3A_79 : vector<100x1xf32> to vector<100x128xf32>
    %mul3A_81 = arith.mulf %mul3A_71, %mul3A_80 : vector<100x128xf32>
    %reduce_sum3A_82 = arith.constant dense<0.000000e+00> : vector<128xf32>
    %reduce_sum3A_83 = vector.multi_reduction <add>, %mul3A_81, %reduce_sum3A_82 [0] : vector<100x128xf32> to vector<128xf32>
    %broadcast_in_dim3A_84 = vector.shape_cast %reduce_sum3A_83 : vector<128xf32> to vector<1x128xf32>
    %slice3A_85 = vector.extract_strided_slice %dot_general3A_11 {offsets = [0, 256], sizes = [100, 128], strides = [1, 1]} : vector<100x4096xf32> to vector<100x128xf32>
    %get3A_86 = arith.constant 0 : index
    %get3A_87 = arith.constant 0 : index
    %get3A_88 = vector.load %arg20[%get3A_86, %get3A_87] : memref<128x256xf32, #tpu.memory_space<vmem>>, vector<128x256xf32>
    %dot_general3A_89 = arith.constant dense<0.000000e+00> : vector<100x256xf32>
    %dot_general3A_90 = tpu.matmul %slice3A_85, %get3A_88, %dot_general3A_89 {dimension_numbers = #tpu.dot_dimension_numbers<[1], [0], [0], [1], [0, 0, 1, 1], [], []>, transpose_lhs_hint = false} : vector<100x128xf32>, vector<128x256xf32>, vector<100x256xf32> -> vector<100x256xf32>
    %add3A_91 = vector.broadcast %get3A_14 : vector<1x256xf32> to vector<100x256xf32>
    %add3A_92 = arith.addf %dot_general3A_90, %add3A_91 : vector<100x256xf32>
    %slice3A_93 = vector.extract_strided_slice %add3A_92 {offsets = [0, 0], sizes = [100, 128], strides = [1, 1]} : vector<100x256xf32> to vector<100x128xf32>
    %mul3A_94 = arith.constant 5.000000e-01 : f32
    %mul3A_95 = vector.broadcast %mul3A_94 : f32 to vector<100x128xf32>
    %mul3A_96 = arith.mulf %mul3A_95, %slice3A_93 : vector<100x128xf32>
    %tanh3A_97 = math.tanh %mul3A_96 : vector<100x128xf32>
    %add3A_98 = arith.constant 1.000000e+00 : f32
    %add3A_99 = vector.broadcast %add3A_98 : f32 to vector<100x128xf32>
    %add3A_100 = arith.addf %add3A_99, %tanh3A_97 : vector<100x128xf32>
    %mul3A_101 = arith.constant 5.000000e-01 : f32
    %mul3A_102 = vector.broadcast %mul3A_101 : f32 to vector<100x128xf32>
    %mul3A_103 = arith.mulf %mul3A_102, %add3A_100 : vector<100x128xf32>
    %slice3A_104 = vector.extract_strided_slice %add3A_92 {offsets = [0, 128], sizes = [100, 128], strides = [1, 1]} : vector<100x256xf32> to vector<100x128xf32>
    %tanh3A_105 = math.tanh %slice3A_104 : vector<100x128xf32>
    %sub3A_106 = arith.constant 1.000000e+00 : f32
    %sub3A_107 = vector.broadcast %sub3A_106 : f32 to vector<100x128xf32>
    %sub3A_108 = arith.subf %sub3A_107, %mul3A_103 : vector<100x128xf32>
    %mul3A_109 = arith.mulf %sub3A_108, %tanh3A_105 : vector<100x128xf32>
    %mul3A_110 = vector.broadcast %select_n3A : vector<100x1xf32> to vector<100x128xf32>
    %mul3A_111 = arith.mulf %mul3A_109, %mul3A_110 : vector<100x128xf32>
    %reduce_sum3A_112 = arith.constant dense<0.000000e+00> : vector<128xf32>
    %reduce_sum3A_113 = vector.multi_reduction <add>, %mul3A_111, %reduce_sum3A_112 [0] : vector<100x128xf32> to vector<128xf32>
    %broadcast_in_dim3A_114 = vector.shape_cast %reduce_sum3A_113 : vector<128xf32> to vector<1x128xf32>
    %sub3A_115 = arith.constant 1.000000e+00 : f32
    %sub3A_116 = vector.broadcast %sub3A_115 : f32 to vector<100x1xf32>
    %sub3A_117 = arith.subf %sub3A_116, %select_n3A : vector<100x1xf32>
    %mul3A_118 = vector.broadcast %sub3A_117 : vector<100x1xf32> to vector<100x128xf32>
    %mul3A_119 = arith.mulf %mul3A_109, %mul3A_118 : vector<100x128xf32>
    %reduce_sum3A_120 = arith.constant dense<0.000000e+00> : vector<128xf32>
    %reduce_sum3A_121 = vector.multi_reduction <add>, %mul3A_119, %reduce_sum3A_120 [0] : vector<100x128xf32> to vector<128xf32>
    %broadcast_in_dim3A_122 = vector.shape_cast %reduce_sum3A_121 : vector<128xf32> to vector<1x128xf32>
    %slice3A_123 = vector.extract_strided_slice %dot_general3A_11 {offsets = [0, 384], sizes = [100, 128], strides = [1, 1]} : vector<100x4096xf32> to vector<100x128xf32>
    %get3A_124 = arith.constant 0 : index
    %get3A_125 = arith.constant 0 : index
    %get3A_126 = vector.load %arg20[%get3A_124, %get3A_125] : memref<128x256xf32, #tpu.memory_space<vmem>>, vector<128x256xf32>
    %dot_general3A_127 = arith.constant dense<0.000000e+00> : vector<100x256xf32>
    %dot_general3A_128 = tpu.matmul %slice3A_123, %get3A_126, %dot_general3A_127 {dimension_numbers = #tpu.dot_dimension_numbers<[1], [0], [0], [1], [0, 0, 1, 1], [], []>, transpose_lhs_hint = false} : vector<100x128xf32>, vector<128x256xf32>, vector<100x256xf32> -> vector<100x256xf32>
    %add3A_129 = vector.broadcast %get3A_14 : vector<1x256xf32> to vector<100x256xf32>
    %add3A_130 = arith.addf %dot_general3A_128, %add3A_129 : vector<100x256xf32>
    %slice3A_131 = vector.extract_strided_slice %add3A_130 {offsets = [0, 0], sizes = [100, 128], strides = [1, 1]} : vector<100x256xf32> to vector<100x128xf32>
    %mul3A_132 = arith.constant 5.000000e-01 : f32
    %mul3A_133 = vector.broadcast %mul3A_132 : f32 to vector<100x128xf32>
    %mul3A_134 = arith.mulf %mul3A_133, %slice3A_131 : vector<100x128xf32>
    %tanh3A_135 = math.tanh %mul3A_134 : vector<100x128xf32>
    %add3A_136 = arith.constant 1.000000e+00 : f32
    %add3A_137 = vector.broadcast %add3A_136 : f32 to vector<100x128xf32>
    %add3A_138 = arith.addf %add3A_137, %tanh3A_135 : vector<100x128xf32>
    %mul3A_139 = arith.constant 5.000000e-01 : f32
    %mul3A_140 = vector.broadcast %mul3A_139 : f32 to vector<100x128xf32>
    %mul3A_141 = arith.mulf %mul3A_140, %add3A_138 : vector<100x128xf32>
    %slice3A_142 = vector.extract_strided_slice %add3A_130 {offsets = [0, 128], sizes = [100, 128], strides = [1, 1]} : vector<100x256xf32> to vector<100x128xf32>
    %tanh3A_143 = math.tanh %slice3A_142 : vector<100x128xf32>
    %sub3A_144 = arith.constant 1.000000e+00 : f32
    %sub3A_145 = vector.broadcast %sub3A_144 : f32 to vector<100x128xf32>
    %sub3A_146 = arith.subf %sub3A_145, %mul3A_141 : vector<100x128xf32>
    %mul3A_147 = arith.mulf %sub3A_146, %tanh3A_143 : vector<100x128xf32>
    %mul3A_148 = vector.broadcast %select_n3A : vector<100x1xf32> to vector<100x128xf32>
    %mul3A_149 = arith.mulf %mul3A_147, %mul3A_148 : vector<100x128xf32>
    %reduce_sum3A_150 = arith.constant dense<0.000000e+00> : vector<128xf32>
    %reduce_sum3A_151 = vector.multi_reduction <add>, %mul3A_149, %reduce_sum3A_150 [0] : vector<100x128xf32> to vector<128xf32>
    %broadcast_in_dim3A_152 = vector.shape_cast %reduce_sum3A_151 : vector<128xf32> to vector<1x128xf32>
    %sub3A_153 = arith.constant 1.000000e+00 : f32
    %sub3A_154 = vector.broadcast %sub3A_153 : f32 to vector<100x1xf32>
    %sub3A_155 = arith.subf %sub3A_154, %select_n3A : vector<100x1xf32>
    %mul3A_156 = vector.broadcast %sub3A_155 : vector<100x1xf32> to vector<100x128xf32>
    %mul3A_157 = arith.mulf %mul3A_147, %mul3A_156 : vector<100x128xf32>
    %reduce_sum3A_158 = arith.constant dense<0.000000e+00> : vector<128xf32>
    %reduce_sum3A_159 = vector.multi_reduction <add>, %mul3A_157, %reduce_sum3A_158 [0] : vector<100x128xf32> to vector<128xf32>
    %broadcast_in_dim3A_160 = vector.shape_cast %reduce_sum3A_159 : vector<128xf32> to vector<1x128xf32>
    %slice3A_161 = vector.extract_strided_slice %dot_general3A_11 {offsets = [0, 512], sizes = [100, 128], strides = [1, 1]} : vector<100x4096xf32> to vector<100x128xf32>
    %get3A_162 = arith.constant 0 : index
    %get3A_163 = arith.constant 0 : index
    %get3A_164 = vector.load %arg20[%get3A_162, %get3A_163] : memref<128x256xf32, #tpu.memory_space<vmem>>, vector<128x256xf32>
    %dot_general3A_165 = arith.constant dense<0.000000e+00> : vector<100x256xf32>
    %dot_general3A_166 = tpu.matmul %slice3A_161, %get3A_164, %dot_general3A_165 {dimension_numbers = #tpu.dot_dimension_numbers<[1], [0], [0], [1], [0, 0, 1, 1], [], []>, transpose_lhs_hint = false} : vector<100x128xf32>, vector<128x256xf32>, vector<100x256xf32> -> vector<100x256xf32>
    %add3A_167 = vector.broadcast %get3A_14 : vector<1x256xf32> to vector<100x256xf32>
    %add3A_168 = arith.addf %dot_general3A_166, %add3A_167 : vector<100x256xf32>
    %slice3A_169 = vector.extract_strided_slice %add3A_168 {offsets = [0, 0], sizes = [100, 128], strides = [1, 1]} : vector<100x256xf32> to vector<100x128xf32>
    %mul3A_170 = arith.constant 5.000000e-01 : f32
    %mul3A_171 = vector.broadcast %mul3A_170 : f32 to vector<100x128xf32>
    %mul3A_172 = arith.mulf %mul3A_171, %slice3A_169 : vector<100x128xf32>
    %tanh3A_173 = math.tanh %mul3A_172 : vector<100x128xf32>
    %add3A_174 = arith.constant 1.000000e+00 : f32
    %add3A_175 = vector.broadcast %add3A_174 : f32 to vector<100x128xf32>
    %add3A_176 = arith.addf %add3A_175, %tanh3A_173 : vector<100x128xf32>
    %mul3A_177 = arith.constant 5.000000e-01 : f32
    %mul3A_178 = vector.broadcast %mul3A_177 : f32 to vector<100x128xf32>
    %mul3A_179 = arith.mulf %mul3A_178, %add3A_176 : vector<100x128xf32>
    %slice3A_180 = vector.extract_strided_slice %add3A_168 {offsets = [0, 128], sizes = [100, 128], strides = [1, 1]} : vector<100x256xf32> to vector<100x128xf32>
    %tanh3A_181 = math.tanh %slice3A_180 : vector<100x128xf32>
    %sub3A_182 = arith.constant 1.000000e+00 : f32
    %sub3A_183 = vector.broadcast %sub3A_182 : f32 to vector<100x128xf32>
    %sub3A_184 = arith.subf %sub3A_183, %mul3A_179 : vector<100x128xf32>
    %mul3A_185 = arith.mulf %sub3A_184, %tanh3A_181 : vector<100x128xf32>
    %mul3A_186 = vector.broadcast %select_n3A : vector<100x1xf32> to vector<100x128xf32>
    %mul3A_187 = arith.mulf %mul3A_185, %mul3A_186 : vector<100x128xf32>
    %reduce_sum3A_188 = arith.constant dense<0.000000e+00> : vector<128xf32>
    %reduce_sum3A_189 = vector.multi_reduction <add>, %mul3A_187, %reduce_sum3A_188 [0] : vector<100x128xf32> to vector<128xf32>
    %broadcast_in_dim3A_190 = vector.shape_cast %reduce_sum3A_189 : vector<128xf32> to vector<1x128xf32>
    %sub3A_191 = arith.constant 1.000000e+00 : f32
    %sub3A_192 = vector.broadcast %sub3A_191 : f32 to vector<100x1xf32>
    %sub3A_193 = arith.subf %sub3A_192, %select_n3A : vector<100x1xf32>
    %mul3A_194 = vector.broadcast %sub3A_193 : vector<100x1xf32> to vector<100x128xf32>
    %mul3A_195 = arith.mulf %mul3A_185, %mul3A_194 : vector<100x128xf32>
    %reduce_sum3A_196 = arith.constant dense<0.000000e+00> : vector<128xf32>
    %reduce_sum3A_197 = vector.multi_reduction <add>, %mul3A_195, %reduce_sum3A_196 [0] : vector<100x128xf32> to vector<128xf32>
    %broadcast_in_dim3A_198 = vector.shape_cast %reduce_sum3A_197 : vector<128xf32> to vector<1x128xf32>
    %slice3A_199 = vector.extract_strided_slice %dot_general3A_11 {offsets = [0, 640], sizes = [100, 128], strides = [1, 1]} : vector<100x4096xf32> to vector<100x128xf32>
    %get3A_200 = arith.constant 0 : index
    %get3A_201 = arith.constant 0 : index
    %get3A_202 = vector.load %arg20[%get3A_200, %get3A_201] : memref<128x256xf32, #tpu.memory_space<vmem>>, vector<128x256xf32>
    %dot_general3A_203 = arith.constant dense<0.000000e+00> : vector<100x256xf32>
    %dot_general3A_204 = tpu.matmul %slice3A_199, %get3A_202, %dot_general3A_203 {dimension_numbers = #tpu.dot_dimension_numbers<[1], [0], [0], [1], [0, 0, 1, 1], [], []>, transpose_lhs_hint = false} : vector<100x128xf32>, vector<128x256xf32>, vector<100x256xf32> -> vector<100x256xf32>
    %add3A_205 = vector.broadcast %get3A_14 : vector<1x256xf32> to vector<100x256xf32>
    %add3A_206 = arith.addf %dot_general3A_204, %add3A_205 : vector<100x256xf32>
    %slice3A_207 = vector.extract_strided_slice %add3A_206 {offsets = [0, 0], sizes = [100, 128], strides = [1, 1]} : vector<100x256xf32> to vector<100x128xf32>
    %mul3A_208 = arith.constant 5.000000e-01 : f32
    %mul3A_209 = vector.broadcast %mul3A_208 : f32 to vector<100x128xf32>
    %mul3A_210 = arith.mulf %mul3A_209, %slice3A_207 : vector<100x128xf32>
    %tanh3A_211 = math.tanh %mul3A_210 : vector<100x128xf32>
    %add3A_212 = arith.constant 1.000000e+00 : f32
    %add3A_213 = vector.broadcast %add3A_212 : f32 to vector<100x128xf32>
    %add3A_214 = arith.addf %add3A_213, %tanh3A_211 : vector<100x128xf32>
    %mul3A_215 = arith.constant 5.000000e-01 : f32
    %mul3A_216 = vector.broadcast %mul3A_215 : f32 to vector<100x128xf32>
    %mul3A_217 = arith.mulf %mul3A_216, %add3A_214 : vector<100x128xf32>
    %slice3A_218 = vector.extract_strided_slice %add3A_206 {offsets = [0, 128], sizes = [100, 128], strides = [1, 1]} : vector<100x256xf32> to vector<100x128xf32>
    %tanh3A_219 = math.tanh %slice3A_218 : vector<100x128xf32>
    %sub3A_220 = arith.constant 1.000000e+00 : f32
    %sub3A_221 = vector.broadcast %sub3A_220 : f32 to vector<100x128xf32>
    %sub3A_222 = arith.subf %sub3A_221, %mul3A_217 : vector<100x128xf32>
    %mul3A_223 = arith.mulf %sub3A_222, %tanh3A_219 : vector<100x128xf32>
    %mul3A_224 = vector.broadcast %select_n3A : vector<100x1xf32> to vector<100x128xf32>
    %mul3A_225 = arith.mulf %mul3A_223, %mul3A_224 : vector<100x128xf32>
    %reduce_sum3A_226 = arith.constant dense<0.000000e+00> : vector<128xf32>
    %reduce_sum3A_227 = vector.multi_reduction <add>, %mul3A_225, %reduce_sum3A_226 [0] : vector<100x128xf32> to vector<128xf32>
    %broadcast_in_dim3A_228 = vector.shape_cast %reduce_sum3A_227 : vector<128xf32> to vector<1x128xf32>
    %sub3A_229 = arith.constant 1.000000e+00 : f32
    %sub3A_230 = vector.broadcast %sub3A_229 : f32 to vector<100x1xf32>
    %sub3A_231 = arith.subf %sub3A_230, %select_n3A : vector<100x1xf32>
    %mul3A_232 = vector.broadcast %sub3A_231 : vector<100x1xf32> to vector<100x128xf32>
    %mul3A_233 = arith.mulf %mul3A_223, %mul3A_232 : vector<100x128xf32>
    %reduce_sum3A_234 = arith.constant dense<0.000000e+00> : vector<128xf32>
    %reduce_sum3A_235 = vector.multi_reduction <add>, %mul3A_233, %reduce_sum3A_234 [0] : vector<100x128xf32> to vector<128xf32>
    %broadcast_in_dim3A_236 = vector.shape_cast %reduce_sum3A_235 : vector<128xf32> to vector<1x128xf32>
    %slice3A_237 = vector.extract_strided_slice %dot_general3A_11 {offsets = [0, 768], sizes = [100, 128], strides = [1, 1]} : vector<100x4096xf32> to vector<100x128xf32>
    %get3A_238 = arith.constant 0 : index
    %get3A_239 = arith.constant 0 : index
    %get3A_240 = vector.load %arg20[%get3A_238, %get3A_239] : memref<128x256xf32, #tpu.memory_space<vmem>>, vector<128x256xf32>
    %dot_general3A_241 = arith.constant dense<0.000000e+00> : vector<100x256xf32>
    %dot_general3A_242 = tpu.matmul %slice3A_237, %get3A_240, %dot_general3A_241 {dimension_numbers = #tpu.dot_dimension_numbers<[1], [0], [0], [1], [0, 0, 1, 1], [], []>, transpose_lhs_hint = false} : vector<100x128xf32>, vector<128x256xf32>, vector<100x256xf32> -> vector<100x256xf32>
    %add3A_243 = vector.broadcast %get3A_14 : vector<1x256xf32> to vector<100x256xf32>
    %add3A_244 = arith.addf %dot_general3A_242, %add3A_243 : vector<100x256xf32>
    %slice3A_245 = vector.extract_strided_slice %add3A_244 {offsets = [0, 0], sizes = [100, 128], strides = [1, 1]} : vector<100x256xf32> to vector<100x128xf32>
    %mul3A_246 = arith.constant 5.000000e-01 : f32
    %mul3A_247 = vector.broadcast %mul3A_246 : f32 to vector<100x128xf32>
    %mul3A_248 = arith.mulf %mul3A_247, %slice3A_245 : vector<100x128xf32>
    %tanh3A_249 = math.tanh %mul3A_248 : vector<100x128xf32>
    %add3A_250 = arith.constant 1.000000e+00 : f32
    %add3A_251 = vector.broadcast %add3A_250 : f32 to vector<100x128xf32>
    %add3A_252 = arith.addf %add3A_251, %tanh3A_249 : vector<100x128xf32>
    %mul3A_253 = arith.constant 5.000000e-01 : f32
    %mul3A_254 = vector.broadcast %mul3A_253 : f32 to vector<100x128xf32>
    %mul3A_255 = arith.mulf %mul3A_254, %add3A_252 : vector<100x128xf32>
    %slice3A_256 = vector.extract_strided_slice %add3A_244 {offsets = [0, 128], sizes = [100, 128], strides = [1, 1]} : vector<100x256xf32> to vector<100x128xf32>
    %tanh3A_257 = math.tanh %slice3A_256 : vector<100x128xf32>
    %sub3A_258 = arith.constant 1.000000e+00 : f32
    %sub3A_259 = vector.broadcast %sub3A_258 : f32 to vector<100x128xf32>
    %sub3A_260 = arith.subf %sub3A_259, %mul3A_255 : vector<100x128xf32>
    %mul3A_261 = arith.mulf %sub3A_260, %tanh3A_257 : vector<100x128xf32>
    %mul3A_262 = vector.broadcast %select_n3A : vector<100x1xf32> to vector<100x128xf32>
    %mul3A_263 = arith.mulf %mul3A_261, %mul3A_262 : vector<100x128xf32>
    %reduce_sum3A_264 = arith.constant dense<0.000000e+00> : vector<128xf32>
    %reduce_sum3A_265 = vector.multi_reduction <add>, %mul3A_263, %reduce_sum3A_264 [0] : vector<100x128xf32> to vector<128xf32>
    %broadcast_in_dim3A_266 = vector.shape_cast %reduce_sum3A_265 : vector<128xf32> to vector<1x128xf32>
    %sub3A_267 = arith.constant 1.000000e+00 : f32
    %sub3A_268 = vector.broadcast %sub3A_267 : f32 to vector<100x1xf32>
    %sub3A_269 = arith.subf %sub3A_268, %select_n3A : vector<100x1xf32>
    %mul3A_270 = vector.broadcast %sub3A_269 : vector<100x1xf32> to vector<100x128xf32>
    %mul3A_271 = arith.mulf %mul3A_261, %mul3A_270 : vector<100x128xf32>
    %reduce_sum3A_272 = arith.constant dense<0.000000e+00> : vector<128xf32>
    %reduce_sum3A_273 = vector.multi_reduction <add>, %mul3A_271, %reduce_sum3A_272 [0] : vector<100x128xf32> to vector<128xf32>
    %broadcast_in_dim3A_274 = vector.shape_cast %reduce_sum3A_273 : vector<128xf32> to vector<1x128xf32>
    %slice3A_275 = vector.extract_strided_slice %dot_general3A_11 {offsets = [0, 896], sizes = [100, 128], strides = [1, 1]} : vector<100x4096xf32> to vector<100x128xf32>
    %get3A_276 = arith.constant 0 : index
    %get3A_277 = arith.constant 0 : index
    %get3A_278 = vector.load %arg20[%get3A_276, %get3A_277] : memref<128x256xf32, #tpu.memory_space<vmem>>, vector<128x256xf32>
    %dot_general3A_279 = arith.constant dense<0.000000e+00> : vector<100x256xf32>
    %dot_general3A_280 = tpu.matmul %slice3A_275, %get3A_278, %dot_general3A_279 {dimension_numbers = #tpu.dot_dimension_numbers<[1], [0], [0], [1], [0, 0, 1, 1], [], []>, transpose_lhs_hint = false} : vector<100x128xf32>, vector<128x256xf32>, vector<100x256xf32> -> vector<100x256xf32>
    %add3A_281 = vector.broadcast %get3A_14 : vector<1x256xf32> to vector<100x256xf32>
    %add3A_282 = arith.addf %dot_general3A_280, %add3A_281 : vector<100x256xf32>
    %slice3A_283 = vector.extract_strided_slice %add3A_282 {offsets = [0, 0], sizes = [100, 128], strides = [1, 1]} : vector<100x256xf32> to vector<100x128xf32>
    %mul3A_284 = arith.constant 5.000000e-01 : f32
    %mul3A_285 = vector.broadcast %mul3A_284 : f32 to vector<100x128xf32>
    %mul3A_286 = arith.mulf %mul3A_285, %slice3A_283 : vector<100x128xf32>
    %tanh3A_287 = math.tanh %mul3A_286 : vector<100x128xf32>
    %add3A_288 = arith.constant 1.000000e+00 : f32
    %add3A_289 = vector.broadcast %add3A_288 : f32 to vector<100x128xf32>
    %add3A_290 = arith.addf %add3A_289, %tanh3A_287 : vector<100x128xf32>
    %mul3A_291 = arith.constant 5.000000e-01 : f32
    %mul3A_292 = vector.broadcast %mul3A_291 : f32 to vector<100x128xf32>
    %mul3A_293 = arith.mulf %mul3A_292, %add3A_290 : vector<100x128xf32>
    %slice3A_294 = vector.extract_strided_slice %add3A_282 {offsets = [0, 128], sizes = [100, 128], strides = [1, 1]} : vector<100x256xf32> to vector<100x128xf32>
    %tanh3A_295 = math.tanh %slice3A_294 : vector<100x128xf32>
    %sub3A_296 = arith.constant 1.000000e+00 : f32
    %sub3A_297 = vector.broadcast %sub3A_296 : f32 to vector<100x128xf32>
    %sub3A_298 = arith.subf %sub3A_297, %mul3A_293 : vector<100x128xf32>
    %mul3A_299 = arith.mulf %sub3A_298, %tanh3A_295 : vector<100x128xf32>
    %mul3A_300 = vector.broadcast %select_n3A : vector<100x1xf32> to vector<100x128xf32>
    %mul3A_301 = arith.mulf %mul3A_299, %mul3A_300 : vector<100x128xf32>
    %reduce_sum3A_302 = arith.constant dense<0.000000e+00> : vector<128xf32>
    %reduce_sum3A_303 = vector.multi_reduction <add>, %mul3A_301, %reduce_sum3A_302 [0] : vector<100x128xf32> to vector<128xf32>
    %broadcast_in_dim3A_304 = vector.shape_cast %reduce_sum3A_303 : vector<128xf32> to vector<1x128xf32>
    %sub3A_305 = arith.constant 1.000000e+00 : f32
    %sub3A_306 = vector.broadcast %sub3A_305 : f32 to vector<100x1xf32>
    %sub3A_307 = arith.subf %sub3A_306, %select_n3A : vector<100x1xf32>
    %mul3A_308 = vector.broadcast %sub3A_307 : vector<100x1xf32> to vector<100x128xf32>
    %mul3A_309 = arith.mulf %mul3A_299, %mul3A_308 : vector<100x128xf32>
    %reduce_sum3A_310 = arith.constant dense<0.000000e+00> : vector<128xf32>
    %reduce_sum3A_311 = vector.multi_reduction <add>, %mul3A_309, %reduce_sum3A_310 [0] : vector<100x128xf32> to vector<128xf32>
    %broadcast_in_dim3A_312 = vector.shape_cast %reduce_sum3A_311 : vector<128xf32> to vector<1x128xf32>
    %slice3A_313 = vector.extract_strided_slice %dot_general3A_11 {offsets = [0, 1024], sizes = [100, 128], strides = [1, 1]} : vector<100x4096xf32> to vector<100x128xf32>
    %get3A_314 = arith.constant 0 : index
    %get3A_315 = arith.constant 0 : index
    %get3A_316 = vector.load %arg20[%get3A_314, %get3A_315] : memref<128x256xf32, #tpu.memory_space<vmem>>, vector<128x256xf32>
    %dot_general3A_317 = arith.constant dense<0.000000e+00> : vector<100x256xf32>
    %dot_general3A_318 = tpu.matmul %slice3A_313, %get3A_316, %dot_general3A_317 {dimension_numbers = #tpu.dot_dimension_numbers<[1], [0], [0], [1], [0, 0, 1, 1], [], []>, transpose_lhs_hint = false} : vector<100x128xf32>, vector<128x256xf32>, vector<100x256xf32> -> vector<100x256xf32>
    %add3A_319 = vector.broadcast %get3A_14 : vector<1x256xf32> to vector<100x256xf32>
    %add3A_320 = arith.addf %dot_general3A_318, %add3A_319 : vector<100x256xf32>
    %slice3A_321 = vector.extract_strided_slice %add3A_320 {offsets = [0, 0], sizes = [100, 128], strides = [1, 1]} : vector<100x256xf32> to vector<100x128xf32>
    %mul3A_322 = arith.constant 5.000000e-01 : f32
    %mul3A_323 = vector.broadcast %mul3A_322 : f32 to vector<100x128xf32>
    %mul3A_324 = arith.mulf %mul3A_323, %slice3A_321 : vector<100x128xf32>
    %tanh3A_325 = math.tanh %mul3A_324 : vector<100x128xf32>
    %add3A_326 = arith.constant 1.000000e+00 : f32
    %add3A_327 = vector.broadcast %add3A_326 : f32 to vector<100x128xf32>
    %add3A_328 = arith.addf %add3A_327, %tanh3A_325 : vector<100x128xf32>
    %mul3A_329 = arith.constant 5.000000e-01 : f32
    %mul3A_330 = vector.broadcast %mul3A_329 : f32 to vector<100x128xf32>
    %mul3A_331 = arith.mulf %mul3A_330, %add3A_328 : vector<100x128xf32>
    %slice3A_332 = vector.extract_strided_slice %add3A_320 {offsets = [0, 128], sizes = [100, 128], strides = [1, 1]} : vector<100x256xf32> to vector<100x128xf32>
    %tanh3A_333 = math.tanh %slice3A_332 : vector<100x128xf32>
    %sub3A_334 = arith.constant 1.000000e+00 : f32
    %sub3A_335 = vector.broadcast %sub3A_334 : f32 to vector<100x128xf32>
    %sub3A_336 = arith.subf %sub3A_335, %mul3A_331 : vector<100x128xf32>
    %mul3A_337 = arith.mulf %sub3A_336, %tanh3A_333 : vector<100x128xf32>
    %mul3A_338 = vector.broadcast %select_n3A : vector<100x1xf32> to vector<100x128xf32>
    %mul3A_339 = arith.mulf %mul3A_337, %mul3A_338 : vector<100x128xf32>
    %reduce_sum3A_340 = arith.constant dense<0.000000e+00> : vector<128xf32>
    %reduce_sum3A_341 = vector.multi_reduction <add>, %mul3A_339, %reduce_sum3A_340 [0] : vector<100x128xf32> to vector<128xf32>
    %broadcast_in_dim3A_342 = vector.shape_cast %reduce_sum3A_341 : vector<128xf32> to vector<1x128xf32>
    %sub3A_343 = arith.constant 1.000000e+00 : f32
    %sub3A_344 = vector.broadcast %sub3A_343 : f32 to vector<100x1xf32>
    %sub3A_345 = arith.subf %sub3A_344, %select_n3A : vector<100x1xf32>
    %mul3A_346 = vector.broadcast %sub3A_345 : vector<100x1xf32> to vector<100x128xf32>
    %mul3A_347 = arith.mulf %mul3A_337, %mul3A_346 : vector<100x128xf32>
    %reduce_sum3A_348 = arith.constant dense<0.000000e+00> : vector<128xf32>
    %reduce_sum3A_349 = vector.multi_reduction <add>, %mul3A_347, %reduce_sum3A_348 [0] : vector<100x128xf32> to vector<128xf32>
    %broadcast_in_dim3A_350 = vector.shape_cast %reduce_sum3A_349 : vector<128xf32> to vector<1x128xf32>
    %slice3A_351 = vector.extract_strided_slice %dot_general3A_11 {offsets = [0, 1152], sizes = [100, 128], strides = [1, 1]} : vector<100x4096xf32> to vector<100x128xf32>
    %get3A_352 = arith.constant 0 : index
    %get3A_353 = arith.constant 0 : index
    %get3A_354 = vector.load %arg20[%get3A_352, %get3A_353] : memref<128x256xf32, #tpu.memory_space<vmem>>, vector<128x256xf32>
    %dot_general3A_355 = arith.constant dense<0.000000e+00> : vector<100x256xf32>
    %dot_general3A_356 = tpu.matmul %slice3A_351, %get3A_354, %dot_general3A_355 {dimension_numbers = #tpu.dot_dimension_numbers<[1], [0], [0], [1], [0, 0, 1, 1], [], []>, transpose_lhs_hint = false} : vector<100x128xf32>, vector<128x256xf32>, vector<100x256xf32> -> vector<100x256xf32>
    %add3A_357 = vector.broadcast %get3A_14 : vector<1x256xf32> to vector<100x256xf32>
    %add3A_358 = arith.addf %dot_general3A_356, %add3A_357 : vector<100x256xf32>
    %slice3A_359 = vector.extract_strided_slice %add3A_358 {offsets = [0, 0], sizes = [100, 128], strides = [1, 1]} : vector<100x256xf32> to vector<100x128xf32>
    %mul3A_360 = arith.constant 5.000000e-01 : f32
    %mul3A_361 = vector.broadcast %mul3A_360 : f32 to vector<100x128xf32>
    %mul3A_362 = arith.mulf %mul3A_361, %slice3A_359 : vector<100x128xf32>
    %tanh3A_363 = math.tanh %mul3A_362 : vector<100x128xf32>
    %add3A_364 = arith.constant 1.000000e+00 : f32
    %add3A_365 = vector.broadcast %add3A_364 : f32 to vector<100x128xf32>
    %add3A_366 = arith.addf %add3A_365, %tanh3A_363 : vector<100x128xf32>
    %mul3A_367 = arith.constant 5.000000e-01 : f32
    %mul3A_368 = vector.broadcast %mul3A_367 : f32 to vector<100x128xf32>
    %mul3A_369 = arith.mulf %mul3A_368, %add3A_366 : vector<100x128xf32>
    %slice3A_370 = vector.extract_strided_slice %add3A_358 {offsets = [0, 128], sizes = [100, 128], strides = [1, 1]} : vector<100x256xf32> to vector<100x128xf32>
    %tanh3A_371 = math.tanh %slice3A_370 : vector<100x128xf32>
    %sub3A_372 = arith.constant 1.000000e+00 : f32
    %sub3A_373 = vector.broadcast %sub3A_372 : f32 to vector<100x128xf32>
    %sub3A_374 = arith.subf %sub3A_373, %mul3A_369 : vector<100x128xf32>
    %mul3A_375 = arith.mulf %sub3A_374, %tanh3A_371 : vector<100x128xf32>
    %mul3A_376 = vector.broadcast %select_n3A : vector<100x1xf32> to vector<100x128xf32>
    %mul3A_377 = arith.mulf %mul3A_375, %mul3A_376 : vector<100x128xf32>
    %reduce_sum3A_378 = arith.constant dense<0.000000e+00> : vector<128xf32>
    %reduce_sum3A_379 = vector.multi_reduction <add>, %mul3A_377, %reduce_sum3A_378 [0] : vector<100x128xf32> to vector<128xf32>
    %broadcast_in_dim3A_380 = vector.shape_cast %reduce_sum3A_379 : vector<128xf32> to vector<1x128xf32>
    %sub3A_381 = arith.constant 1.000000e+00 : f32
    %sub3A_382 = vector.broadcast %sub3A_381 : f32 to vector<100x1xf32>
    %sub3A_383 = arith.subf %sub3A_382, %select_n3A : vector<100x1xf32>
    %mul3A_384 = vector.broadcast %sub3A_383 : vector<100x1xf32> to vector<100x128xf32>
    %mul3A_385 = arith.mulf %mul3A_375, %mul3A_384 : vector<100x128xf32>
    %reduce_sum3A_386 = arith.constant dense<0.000000e+00> : vector<128xf32>
    %reduce_sum3A_387 = vector.multi_reduction <add>, %mul3A_385, %reduce_sum3A_386 [0] : vector<100x128xf32> to vector<128xf32>
    %broadcast_in_dim3A_388 = vector.shape_cast %reduce_sum3A_387 : vector<128xf32> to vector<1x128xf32>
    %slice3A_389 = vector.extract_strided_slice %dot_general3A_11 {offsets = [0, 1280], sizes = [100, 128], strides = [1, 1]} : vector<100x4096xf32> to vector<100x128xf32>
    %get3A_390 = arith.constant 0 : index
    %get3A_391 = arith.constant 0 : index
    %get3A_392 = vector.load %arg20[%get3A_390, %get3A_391] : memref<128x256xf32, #tpu.memory_space<vmem>>, vector<128x256xf32>
    %dot_general3A_393 = arith.constant dense<0.000000e+00> : vector<100x256xf32>
    %dot_general3A_394 = tpu.matmul %slice3A_389, %get3A_392, %dot_general3A_393 {dimension_numbers = #tpu.dot_dimension_numbers<[1], [0], [0], [1], [0, 0, 1, 1], [], []>, transpose_lhs_hint = false} : vector<100x128xf32>, vector<128x256xf32>, vector<100x256xf32> -> vector<100x256xf32>
    %add3A_395 = vector.broadcast %get3A_14 : vector<1x256xf32> to vector<100x256xf32>
    %add3A_396 = arith.addf %dot_general3A_394, %add3A_395 : vector<100x256xf32>
    %slice3A_397 = vector.extract_strided_slice %add3A_396 {offsets = [0, 0], sizes = [100, 128], strides = [1, 1]} : vector<100x256xf32> to vector<100x128xf32>
    %mul3A_398 = arith.constant 5.000000e-01 : f32
    %mul3A_399 = vector.broadcast %mul3A_398 : f32 to vector<100x128xf32>
    %mul3A_400 = arith.mulf %mul3A_399, %slice3A_397 : vector<100x128xf32>
    %tanh3A_401 = math.tanh %mul3A_400 : vector<100x128xf32>
    %add3A_402 = arith.constant 1.000000e+00 : f32
    %add3A_403 = vector.broadcast %add3A_402 : f32 to vector<100x128xf32>
    %add3A_404 = arith.addf %add3A_403, %tanh3A_401 : vector<100x128xf32>
    %mul3A_405 = arith.constant 5.000000e-01 : f32
    %mul3A_406 = vector.broadcast %mul3A_405 : f32 to vector<100x128xf32>
    %mul3A_407 = arith.mulf %mul3A_406, %add3A_404 : vector<100x128xf32>
    %slice3A_408 = vector.extract_strided_slice %add3A_396 {offsets = [0, 128], sizes = [100, 128], strides = [1, 1]} : vector<100x256xf32> to vector<100x128xf32>
    %tanh3A_409 = math.tanh %slice3A_408 : vector<100x128xf32>
    %sub3A_410 = arith.constant 1.000000e+00 : f32
    %sub3A_411 = vector.broadcast %sub3A_410 : f32 to vector<100x128xf32>
    %sub3A_412 = arith.subf %sub3A_411, %mul3A_407 : vector<100x128xf32>
    %mul3A_413 = arith.mulf %sub3A_412, %tanh3A_409 : vector<100x128xf32>
    %mul3A_414 = vector.broadcast %select_n3A : vector<100x1xf32> to vector<100x128xf32>
    %mul3A_415 = arith.mulf %mul3A_413, %mul3A_414 : vector<100x128xf32>
    %reduce_sum3A_416 = arith.constant dense<0.000000e+00> : vector<128xf32>
    %reduce_sum3A_417 = vector.multi_reduction <add>, %mul3A_415, %reduce_sum3A_416 [0] : vector<100x128xf32> to vector<128xf32>
    %broadcast_in_dim3A_418 = vector.shape_cast %reduce_sum3A_417 : vector<128xf32> to vector<1x128xf32>
    %sub3A_419 = arith.constant 1.000000e+00 : f32
    %sub3A_420 = vector.broadcast %sub3A_419 : f32 to vector<100x1xf32>
    %sub3A_421 = arith.subf %sub3A_420, %select_n3A : vector<100x1xf32>
    %mul3A_422 = vector.broadcast %sub3A_421 : vector<100x1xf32> to vector<100x128xf32>
    %mul3A_423 = arith.mulf %mul3A_413, %mul3A_422 : vector<100x128xf32>
    %reduce_sum3A_424 = arith.constant dense<0.000000e+00> : vector<128xf32>
    %reduce_sum3A_425 = vector.multi_reduction <add>, %mul3A_423, %reduce_sum3A_424 [0] : vector<100x128xf32> to vector<128xf32>
    %broadcast_in_dim3A_426 = vector.shape_cast %reduce_sum3A_425 : vector<128xf32> to vector<1x128xf32>
    %slice3A_427 = vector.extract_strided_slice %dot_general3A_11 {offsets = [0, 1408], sizes = [100, 128], strides = [1, 1]} : vector<100x4096xf32> to vector<100x128xf32>
    %get3A_428 = arith.constant 0 : index
    %get3A_429 = arith.constant 0 : index
    %get3A_430 = vector.load %arg20[%get3A_428, %get3A_429] : memref<128x256xf32, #tpu.memory_space<vmem>>, vector<128x256xf32>
    %dot_general3A_431 = arith.constant dense<0.000000e+00> : vector<100x256xf32>
    %dot_general3A_432 = tpu.matmul %slice3A_427, %get3A_430, %dot_general3A_431 {dimension_numbers = #tpu.dot_dimension_numbers<[1], [0], [0], [1], [0, 0, 1, 1], [], []>, transpose_lhs_hint = false} : vector<100x128xf32>, vector<128x256xf32>, vector<100x256xf32> -> vector<100x256xf32>
    %add3A_433 = vector.broadcast %get3A_14 : vector<1x256xf32> to vector<100x256xf32>
    %add3A_434 = arith.addf %dot_general3A_432, %add3A_433 : vector<100x256xf32>
    %slice3A_435 = vector.extract_strided_slice %add3A_434 {offsets = [0, 0], sizes = [100, 128], strides = [1, 1]} : vector<100x256xf32> to vector<100x128xf32>
    %mul3A_436 = arith.constant 5.000000e-01 : f32
    %mul3A_437 = vector.broadcast %mul3A_436 : f32 to vector<100x128xf32>
    %mul3A_438 = arith.mulf %mul3A_437, %slice3A_435 : vector<100x128xf32>
    %tanh3A_439 = math.tanh %mul3A_438 : vector<100x128xf32>
    %add3A_440 = arith.constant 1.000000e+00 : f32
    %add3A_441 = vector.broadcast %add3A_440 : f32 to vector<100x128xf32>
    %add3A_442 = arith.addf %add3A_441, %tanh3A_439 : vector<100x128xf32>
    %mul3A_443 = arith.constant 5.000000e-01 : f32
    %mul3A_444 = vector.broadcast %mul3A_443 : f32 to vector<100x128xf32>
    %mul3A_445 = arith.mulf %mul3A_444, %add3A_442 : vector<100x128xf32>
    %slice3A_446 = vector.extract_strided_slice %add3A_434 {offsets = [0, 128], sizes = [100, 128], strides = [1, 1]} : vector<100x256xf32> to vector<100x128xf32>
    %tanh3A_447 = math.tanh %slice3A_446 : vector<100x128xf32>
    %sub3A_448 = arith.constant 1.000000e+00 : f32
    %sub3A_449 = vector.broadcast %sub3A_448 : f32 to vector<100x128xf32>
    %sub3A_450 = arith.subf %sub3A_449, %mul3A_445 : vector<100x128xf32>
    %mul3A_451 = arith.mulf %sub3A_450, %tanh3A_447 : vector<100x128xf32>
    %mul3A_452 = vector.broadcast %select_n3A : vector<100x1xf32> to vector<100x128xf32>
    %mul3A_453 = arith.mulf %mul3A_451, %mul3A_452 : vector<100x128xf32>
    %reduce_sum3A_454 = arith.constant dense<0.000000e+00> : vector<128xf32>
    %reduce_sum3A_455 = vector.multi_reduction <add>, %mul3A_453, %reduce_sum3A_454 [0] : vector<100x128xf32> to vector<128xf32>
    %broadcast_in_dim3A_456 = vector.shape_cast %reduce_sum3A_455 : vector<128xf32> to vector<1x128xf32>
    %sub3A_457 = arith.constant 1.000000e+00 : f32
    %sub3A_458 = vector.broadcast %sub3A_457 : f32 to vector<100x1xf32>
    %sub3A_459 = arith.subf %sub3A_458, %select_n3A : vector<100x1xf32>
    %mul3A_460 = vector.broadcast %sub3A_459 : vector<100x1xf32> to vector<100x128xf32>
    %mul3A_461 = arith.mulf %mul3A_451, %mul3A_460 : vector<100x128xf32>
    %reduce_sum3A_462 = arith.constant dense<0.000000e+00> : vector<128xf32>
    %reduce_sum3A_463 = vector.multi_reduction <add>, %mul3A_461, %reduce_sum3A_462 [0] : vector<100x128xf32> to vector<128xf32>
    %broadcast_in_dim3A_464 = vector.shape_cast %reduce_sum3A_463 : vector<128xf32> to vector<1x128xf32>
    %slice3A_465 = vector.extract_strided_slice %dot_general3A_11 {offsets = [0, 1536], sizes = [100, 128], strides = [1, 1]} : vector<100x4096xf32> to vector<100x128xf32>
    %get3A_466 = arith.constant 0 : index
    %get3A_467 = arith.constant 0 : index
    %get3A_468 = vector.load %arg20[%get3A_466, %get3A_467] : memref<128x256xf32, #tpu.memory_space<vmem>>, vector<128x256xf32>
    %dot_general3A_469 = arith.constant dense<0.000000e+00> : vector<100x256xf32>
    %dot_general3A_470 = tpu.matmul %slice3A_465, %get3A_468, %dot_general3A_469 {dimension_numbers = #tpu.dot_dimension_numbers<[1], [0], [0], [1], [0, 0, 1, 1], [], []>, transpose_lhs_hint = false} : vector<100x128xf32>, vector<128x256xf32>, vector<100x256xf32> -> vector<100x256xf32>
    %add3A_471 = vector.broadcast %get3A_14 : vector<1x256xf32> to vector<100x256xf32>
    %add3A_472 = arith.addf %dot_general3A_470, %add3A_471 : vector<100x256xf32>
    %slice3A_473 = vector.extract_strided_slice %add3A_472 {offsets = [0, 0], sizes = [100, 128], strides = [1, 1]} : vector<100x256xf32> to vector<100x128xf32>
    %mul3A_474 = arith.constant 5.000000e-01 : f32
    %mul3A_475 = vector.broadcast %mul3A_474 : f32 to vector<100x128xf32>
    %mul3A_476 = arith.mulf %mul3A_475, %slice3A_473 : vector<100x128xf32>
    %tanh3A_477 = math.tanh %mul3A_476 : vector<100x128xf32>
    %add3A_478 = arith.constant 1.000000e+00 : f32
    %add3A_479 = vector.broadcast %add3A_478 : f32 to vector<100x128xf32>
    %add3A_480 = arith.addf %add3A_479, %tanh3A_477 : vector<100x128xf32>
    %mul3A_481 = arith.constant 5.000000e-01 : f32
    %mul3A_482 = vector.broadcast %mul3A_481 : f32 to vector<100x128xf32>
    %mul3A_483 = arith.mulf %mul3A_482, %add3A_480 : vector<100x128xf32>
    %slice3A_484 = vector.extract_strided_slice %add3A_472 {offsets = [0, 128], sizes = [100, 128], strides = [1, 1]} : vector<100x256xf32> to vector<100x128xf32>
    %tanh3A_485 = math.tanh %slice3A_484 : vector<100x128xf32>
    %sub3A_486 = arith.constant 1.000000e+00 : f32
    %sub3A_487 = vector.broadcast %sub3A_486 : f32 to vector<100x128xf32>
    %sub3A_488 = arith.subf %sub3A_487, %mul3A_483 : vector<100x128xf32>
    %mul3A_489 = arith.mulf %sub3A_488, %tanh3A_485 : vector<100x128xf32>
    %mul3A_490 = vector.broadcast %select_n3A : vector<100x1xf32> to vector<100x128xf32>
    %mul3A_491 = arith.mulf %mul3A_489, %mul3A_490 : vector<100x128xf32>
    %reduce_sum3A_492 = arith.constant dense<0.000000e+00> : vector<128xf32>
    %reduce_sum3A_493 = vector.multi_reduction <add>, %mul3A_491, %reduce_sum3A_492 [0] : vector<100x128xf32> to vector<128xf32>
    %broadcast_in_dim3A_494 = vector.shape_cast %reduce_sum3A_493 : vector<128xf32> to vector<1x128xf32>
    %sub3A_495 = arith.constant 1.000000e+00 : f32
    %sub3A_496 = vector.broadcast %sub3A_495 : f32 to vector<100x1xf32>
    %sub3A_497 = arith.subf %sub3A_496, %select_n3A : vector<100x1xf32>
    %mul3A_498 = vector.broadcast %sub3A_497 : vector<100x1xf32> to vector<100x128xf32>
    %mul3A_499 = arith.mulf %mul3A_489, %mul3A_498 : vector<100x128xf32>
    %reduce_sum3A_500 = arith.constant dense<0.000000e+00> : vector<128xf32>
    %reduce_sum3A_501 = vector.multi_reduction <add>, %mul3A_499, %reduce_sum3A_500 [0] : vector<100x128xf32> to vector<128xf32>
    %broadcast_in_dim3A_502 = vector.shape_cast %reduce_sum3A_501 : vector<128xf32> to vector<1x128xf32>
    %slice3A_503 = vector.extract_strided_slice %dot_general3A_11 {offsets = [0, 1664], sizes = [100, 128], strides = [1, 1]} : vector<100x4096xf32> to vector<100x128xf32>
    %get3A_504 = arith.constant 0 : index
    %get3A_505 = arith.constant 0 : index
    %get3A_506 = vector.load %arg20[%get3A_504, %get3A_505] : memref<128x256xf32, #tpu.memory_space<vmem>>, vector<128x256xf32>
    %dot_general3A_507 = arith.constant dense<0.000000e+00> : vector<100x256xf32>
    %dot_general3A_508 = tpu.matmul %slice3A_503, %get3A_506, %dot_general3A_507 {dimension_numbers = #tpu.dot_dimension_numbers<[1], [0], [0], [1], [0, 0, 1, 1], [], []>, transpose_lhs_hint = false} : vector<100x128xf32>, vector<128x256xf32>, vector<100x256xf32> -> vector<100x256xf32>
    %add3A_509 = vector.broadcast %get3A_14 : vector<1x256xf32> to vector<100x256xf32>
    %add3A_510 = arith.addf %dot_general3A_508, %add3A_509 : vector<100x256xf32>
    %slice3A_511 = vector.extract_strided_slice %add3A_510 {offsets = [0, 0], sizes = [100, 128], strides = [1, 1]} : vector<100x256xf32> to vector<100x128xf32>
    %mul3A_512 = arith.constant 5.000000e-01 : f32
    %mul3A_513 = vector.broadcast %mul3A_512 : f32 to vector<100x128xf32>
    %mul3A_514 = arith.mulf %mul3A_513, %slice3A_511 : vector<100x128xf32>
    %tanh3A_515 = math.tanh %mul3A_514 : vector<100x128xf32>
    %add3A_516 = arith.constant 1.000000e+00 : f32
    %add3A_517 = vector.broadcast %add3A_516 : f32 to vector<100x128xf32>
    %add3A_518 = arith.addf %add3A_517, %tanh3A_515 : vector<100x128xf32>
    %mul3A_519 = arith.constant 5.000000e-01 : f32
    %mul3A_520 = vector.broadcast %mul3A_519 : f32 to vector<100x128xf32>
    %mul3A_521 = arith.mulf %mul3A_520, %add3A_518 : vector<100x128xf32>
    %slice3A_522 = vector.extract_strided_slice %add3A_510 {offsets = [0, 128], sizes = [100, 128], strides = [1, 1]} : vector<100x256xf32> to vector<100x128xf32>
    %tanh3A_523 = math.tanh %slice3A_522 : vector<100x128xf32>
    %sub3A_524 = arith.constant 1.000000e+00 : f32
    %sub3A_525 = vector.broadcast %sub3A_524 : f32 to vector<100x128xf32>
    %sub3A_526 = arith.subf %sub3A_525, %mul3A_521 : vector<100x128xf32>
    %mul3A_527 = arith.mulf %sub3A_526, %tanh3A_523 : vector<100x128xf32>
    %mul3A_528 = vector.broadcast %select_n3A : vector<100x1xf32> to vector<100x128xf32>
    %mul3A_529 = arith.mulf %mul3A_527, %mul3A_528 : vector<100x128xf32>
    %reduce_sum3A_530 = arith.constant dense<0.000000e+00> : vector<128xf32>
    %reduce_sum3A_531 = vector.multi_reduction <add>, %mul3A_529, %reduce_sum3A_530 [0] : vector<100x128xf32> to vector<128xf32>
    %broadcast_in_dim3A_532 = vector.shape_cast %reduce_sum3A_531 : vector<128xf32> to vector<1x128xf32>
    %sub3A_533 = arith.constant 1.000000e+00 : f32
    %sub3A_534 = vector.broadcast %sub3A_533 : f32 to vector<100x1xf32>
    %sub3A_535 = arith.subf %sub3A_534, %select_n3A : vector<100x1xf32>
    %mul3A_536 = vector.broadcast %sub3A_535 : vector<100x1xf32> to vector<100x128xf32>
    %mul3A_537 = arith.mulf %mul3A_527, %mul3A_536 : vector<100x128xf32>
    %reduce_sum3A_538 = arith.constant dense<0.000000e+00> : vector<128xf32>
    %reduce_sum3A_539 = vector.multi_reduction <add>, %mul3A_537, %reduce_sum3A_538 [0] : vector<100x128xf32> to vector<128xf32>
    %broadcast_in_dim3A_540 = vector.shape_cast %reduce_sum3A_539 : vector<128xf32> to vector<1x128xf32>
    %slice3A_541 = vector.extract_strided_slice %dot_general3A_11 {offsets = [0, 1792], sizes = [100, 128], strides = [1, 1]} : vector<100x4096xf32> to vector<100x128xf32>
    %get3A_542 = arith.constant 0 : index
    %get3A_543 = arith.constant 0 : index
    %get3A_544 = vector.load %arg20[%get3A_542, %get3A_543] : memref<128x256xf32, #tpu.memory_space<vmem>>, vector<128x256xf32>
    %dot_general3A_545 = arith.constant dense<0.000000e+00> : vector<100x256xf32>
    %dot_general3A_546 = tpu.matmul %slice3A_541, %get3A_544, %dot_general3A_545 {dimension_numbers = #tpu.dot_dimension_numbers<[1], [0], [0], [1], [0, 0, 1, 1], [], []>, transpose_lhs_hint = false} : vector<100x128xf32>, vector<128x256xf32>, vector<100x256xf32> -> vector<100x256xf32>
    %add3A_547 = vector.broadcast %get3A_14 : vector<1x256xf32> to vector<100x256xf32>
    %add3A_548 = arith.addf %dot_general3A_546, %add3A_547 : vector<100x256xf32>
    %slice3A_549 = vector.extract_strided_slice %add3A_548 {offsets = [0, 0], sizes = [100, 128], strides = [1, 1]} : vector<100x256xf32> to vector<100x128xf32>
    %mul3A_550 = arith.constant 5.000000e-01 : f32
    %mul3A_551 = vector.broadcast %mul3A_550 : f32 to vector<100x128xf32>
    %mul3A_552 = arith.mulf %mul3A_551, %slice3A_549 : vector<100x128xf32>
    %tanh3A_553 = math.tanh %mul3A_552 : vector<100x128xf32>
    %add3A_554 = arith.constant 1.000000e+00 : f32
    %add3A_555 = vector.broadcast %add3A_554 : f32 to vector<100x128xf32>
    %add3A_556 = arith.addf %add3A_555, %tanh3A_553 : vector<100x128xf32>
    %mul3A_557 = arith.constant 5.000000e-01 : f32
    %mul3A_558 = vector.broadcast %mul3A_557 : f32 to vector<100x128xf32>
    %mul3A_559 = arith.mulf %mul3A_558, %add3A_556 : vector<100x128xf32>
    %slice3A_560 = vector.extract_strided_slice %add3A_548 {offsets = [0, 128], sizes = [100, 128], strides = [1, 1]} : vector<100x256xf32> to vector<100x128xf32>
    %tanh3A_561 = math.tanh %slice3A_560 : vector<100x128xf32>
    %sub3A_562 = arith.constant 1.000000e+00 : f32
    %sub3A_563 = vector.broadcast %sub3A_562 : f32 to vector<100x128xf32>
    %sub3A_564 = arith.subf %sub3A_563, %mul3A_559 : vector<100x128xf32>
    %mul3A_565 = arith.mulf %sub3A_564, %tanh3A_561 : vector<100x128xf32>
    %mul3A_566 = vector.broadcast %select_n3A : vector<100x1xf32> to vector<100x128xf32>
    %mul3A_567 = arith.mulf %mul3A_565, %mul3A_566 : vector<100x128xf32>
    %reduce_sum3A_568 = arith.constant dense<0.000000e+00> : vector<128xf32>
    %reduce_sum3A_569 = vector.multi_reduction <add>, %mul3A_567, %reduce_sum3A_568 [0] : vector<100x128xf32> to vector<128xf32>
    %broadcast_in_dim3A_570 = vector.shape_cast %reduce_sum3A_569 : vector<128xf32> to vector<1x128xf32>
    %sub3A_571 = arith.constant 1.000000e+00 : f32
    %sub3A_572 = vector.broadcast %sub3A_571 : f32 to vector<100x1xf32>
    %sub3A_573 = arith.subf %sub3A_572, %select_n3A : vector<100x1xf32>
    %mul3A_574 = vector.broadcast %sub3A_573 : vector<100x1xf32> to vector<100x128xf32>
    %mul3A_575 = arith.mulf %mul3A_565, %mul3A_574 : vector<100x128xf32>
    %reduce_sum3A_576 = arith.constant dense<0.000000e+00> : vector<128xf32>
    %reduce_sum3A_577 = vector.multi_reduction <add>, %mul3A_575, %reduce_sum3A_576 [0] : vector<100x128xf32> to vector<128xf32>
    %broadcast_in_dim3A_578 = vector.shape_cast %reduce_sum3A_577 : vector<128xf32> to vector<1x128xf32>
    %slice3A_579 = vector.extract_strided_slice %dot_general3A_11 {offsets = [0, 1920], sizes = [100, 128], strides = [1, 1]} : vector<100x4096xf32> to vector<100x128xf32>
    %get3A_580 = arith.constant 0 : index
    %get3A_581 = arith.constant 0 : index
    %get3A_582 = vector.load %arg20[%get3A_580, %get3A_581] : memref<128x256xf32, #tpu.memory_space<vmem>>, vector<128x256xf32>
    %dot_general3A_583 = arith.constant dense<0.000000e+00> : vector<100x256xf32>
    %dot_general3A_584 = tpu.matmul %slice3A_579, %get3A_582, %dot_general3A_583 {dimension_numbers = #tpu.dot_dimension_numbers<[1], [0], [0], [1], [0, 0, 1, 1], [], []>, transpose_lhs_hint = false} : vector<100x128xf32>, vector<128x256xf32>, vector<100x256xf32> -> vector<100x256xf32>
    %add3A_585 = vector.broadcast %get3A_14 : vector<1x256xf32> to vector<100x256xf32>
    %add3A_586 = arith.addf %dot_general3A_584, %add3A_585 : vector<100x256xf32>
    %slice3A_587 = vector.extract_strided_slice %add3A_586 {offsets = [0, 0], sizes = [100, 128], strides = [1, 1]} : vector<100x256xf32> to vector<100x128xf32>
    %mul3A_588 = arith.constant 5.000000e-01 : f32
    %mul3A_589 = vector.broadcast %mul3A_588 : f32 to vector<100x128xf32>
    %mul3A_590 = arith.mulf %mul3A_589, %slice3A_587 : vector<100x128xf32>
    %tanh3A_591 = math.tanh %mul3A_590 : vector<100x128xf32>
    %add3A_592 = arith.constant 1.000000e+00 : f32
    %add3A_593 = vector.broadcast %add3A_592 : f32 to vector<100x128xf32>
    %add3A_594 = arith.addf %add3A_593, %tanh3A_591 : vector<100x128xf32>
    %mul3A_595 = arith.constant 5.000000e-01 : f32
    %mul3A_596 = vector.broadcast %mul3A_595 : f32 to vector<100x128xf32>
    %mul3A_597 = arith.mulf %mul3A_596, %add3A_594 : vector<100x128xf32>
    %slice3A_598 = vector.extract_strided_slice %add3A_586 {offsets = [0, 128], sizes = [100, 128], strides = [1, 1]} : vector<100x256xf32> to vector<100x128xf32>
    %tanh3A_599 = math.tanh %slice3A_598 : vector<100x128xf32>
    %sub3A_600 = arith.constant 1.000000e+00 : f32
    %sub3A_601 = vector.broadcast %sub3A_600 : f32 to vector<100x128xf32>
    %sub3A_602 = arith.subf %sub3A_601, %mul3A_597 : vector<100x128xf32>
    %mul3A_603 = arith.mulf %sub3A_602, %tanh3A_599 : vector<100x128xf32>
    %mul3A_604 = vector.broadcast %select_n3A : vector<100x1xf32> to vector<100x128xf32>
    %mul3A_605 = arith.mulf %mul3A_603, %mul3A_604 : vector<100x128xf32>
    %reduce_sum3A_606 = arith.constant dense<0.000000e+00> : vector<128xf32>
    %reduce_sum3A_607 = vector.multi_reduction <add>, %mul3A_605, %reduce_sum3A_606 [0] : vector<100x128xf32> to vector<128xf32>
    %broadcast_in_dim3A_608 = vector.shape_cast %reduce_sum3A_607 : vector<128xf32> to vector<1x128xf32>
    %sub3A_609 = arith.constant 1.000000e+00 : f32
    %sub3A_610 = vector.broadcast %sub3A_609 : f32 to vector<100x1xf32>
    %sub3A_611 = arith.subf %sub3A_610, %select_n3A : vector<100x1xf32>
    %mul3A_612 = vector.broadcast %sub3A_611 : vector<100x1xf32> to vector<100x128xf32>
    %mul3A_613 = arith.mulf %mul3A_603, %mul3A_612 : vector<100x128xf32>
    %reduce_sum3A_614 = arith.constant dense<0.000000e+00> : vector<128xf32>
    %reduce_sum3A_615 = vector.multi_reduction <add>, %mul3A_613, %reduce_sum3A_614 [0] : vector<100x128xf32> to vector<128xf32>
    %broadcast_in_dim3A_616 = vector.shape_cast %reduce_sum3A_615 : vector<128xf32> to vector<1x128xf32>
    %slice3A_617 = vector.extract_strided_slice %dot_general3A_11 {offsets = [0, 2048], sizes = [100, 128], strides = [1, 1]} : vector<100x4096xf32> to vector<100x128xf32>
    %get3A_618 = arith.constant 0 : index
    %get3A_619 = arith.constant 0 : index
    %get3A_620 = vector.load %arg20[%get3A_618, %get3A_619] : memref<128x256xf32, #tpu.memory_space<vmem>>, vector<128x256xf32>
    %dot_general3A_621 = arith.constant dense<0.000000e+00> : vector<100x256xf32>
    %dot_general3A_622 = tpu.matmul %slice3A_617, %get3A_620, %dot_general3A_621 {dimension_numbers = #tpu.dot_dimension_numbers<[1], [0], [0], [1], [0, 0, 1, 1], [], []>, transpose_lhs_hint = false} : vector<100x128xf32>, vector<128x256xf32>, vector<100x256xf32> -> vector<100x256xf32>
    %add3A_623 = vector.broadcast %get3A_14 : vector<1x256xf32> to vector<100x256xf32>
    %add3A_624 = arith.addf %dot_general3A_622, %add3A_623 : vector<100x256xf32>
    %slice3A_625 = vector.extract_strided_slice %add3A_624 {offsets = [0, 0], sizes = [100, 128], strides = [1, 1]} : vector<100x256xf32> to vector<100x128xf32>
    %mul3A_626 = arith.constant 5.000000e-01 : f32
    %mul3A_627 = vector.broadcast %mul3A_626 : f32 to vector<100x128xf32>
    %mul3A_628 = arith.mulf %mul3A_627, %slice3A_625 : vector<100x128xf32>
    %tanh3A_629 = math.tanh %mul3A_628 : vector<100x128xf32>
    %add3A_630 = arith.constant 1.000000e+00 : f32
    %add3A_631 = vector.broadcast %add3A_630 : f32 to vector<100x128xf32>
    %add3A_632 = arith.addf %add3A_631, %tanh3A_629 : vector<100x128xf32>
    %mul3A_633 = arith.constant 5.000000e-01 : f32
    %mul3A_634 = vector.broadcast %mul3A_633 : f32 to vector<100x128xf32>
    %mul3A_635 = arith.mulf %mul3A_634, %add3A_632 : vector<100x128xf32>
    %slice3A_636 = vector.extract_strided_slice %add3A_624 {offsets = [0, 128], sizes = [100, 128], strides = [1, 1]} : vector<100x256xf32> to vector<100x128xf32>
    %tanh3A_637 = math.tanh %slice3A_636 : vector<100x128xf32>
    %sub3A_638 = arith.constant 1.000000e+00 : f32
    %sub3A_639 = vector.broadcast %sub3A_638 : f32 to vector<100x128xf32>
    %sub3A_640 = arith.subf %sub3A_639, %mul3A_635 : vector<100x128xf32>
    %mul3A_641 = arith.mulf %sub3A_640, %tanh3A_637 : vector<100x128xf32>
    %mul3A_642 = vector.broadcast %select_n3A : vector<100x1xf32> to vector<100x128xf32>
    %mul3A_643 = arith.mulf %mul3A_641, %mul3A_642 : vector<100x128xf32>
    %reduce_sum3A_644 = arith.constant dense<0.000000e+00> : vector<128xf32>
    %reduce_sum3A_645 = vector.multi_reduction <add>, %mul3A_643, %reduce_sum3A_644 [0] : vector<100x128xf32> to vector<128xf32>
    %broadcast_in_dim3A_646 = vector.shape_cast %reduce_sum3A_645 : vector<128xf32> to vector<1x128xf32>
    %sub3A_647 = arith.constant 1.000000e+00 : f32
    %sub3A_648 = vector.broadcast %sub3A_647 : f32 to vector<100x1xf32>
    %sub3A_649 = arith.subf %sub3A_648, %select_n3A : vector<100x1xf32>
    %mul3A_650 = vector.broadcast %sub3A_649 : vector<100x1xf32> to vector<100x128xf32>
    %mul3A_651 = arith.mulf %mul3A_641, %mul3A_650 : vector<100x128xf32>
    %reduce_sum3A_652 = arith.constant dense<0.000000e+00> : vector<128xf32>
    %reduce_sum3A_653 = vector.multi_reduction <add>, %mul3A_651, %reduce_sum3A_652 [0] : vector<100x128xf32> to vector<128xf32>
    %broadcast_in_dim3A_654 = vector.shape_cast %reduce_sum3A_653 : vector<128xf32> to vector<1x128xf32>
    %slice3A_655 = vector.extract_strided_slice %dot_general3A_11 {offsets = [0, 2176], sizes = [100, 128], strides = [1, 1]} : vector<100x4096xf32> to vector<100x128xf32>
    %get3A_656 = arith.constant 0 : index
    %get3A_657 = arith.constant 0 : index
    %get3A_658 = vector.load %arg20[%get3A_656, %get3A_657] : memref<128x256xf32, #tpu.memory_space<vmem>>, vector<128x256xf32>
    %dot_general3A_659 = arith.constant dense<0.000000e+00> : vector<100x256xf32>
    %dot_general3A_660 = tpu.matmul %slice3A_655, %get3A_658, %dot_general3A_659 {dimension_numbers = #tpu.dot_dimension_numbers<[1], [0], [0], [1], [0, 0, 1, 1], [], []>, transpose_lhs_hint = false} : vector<100x128xf32>, vector<128x256xf32>, vector<100x256xf32> -> vector<100x256xf32>
    %add3A_661 = vector.broadcast %get3A_14 : vector<1x256xf32> to vector<100x256xf32>
    %add3A_662 = arith.addf %dot_general3A_660, %add3A_661 : vector<100x256xf32>
    %slice3A_663 = vector.extract_strided_slice %add3A_662 {offsets = [0, 0], sizes = [100, 128], strides = [1, 1]} : vector<100x256xf32> to vector<100x128xf32>
    %mul3A_664 = arith.constant 5.000000e-01 : f32
    %mul3A_665 = vector.broadcast %mul3A_664 : f32 to vector<100x128xf32>
    %mul3A_666 = arith.mulf %mul3A_665, %slice3A_663 : vector<100x128xf32>
    %tanh3A_667 = math.tanh %mul3A_666 : vector<100x128xf32>
    %add3A_668 = arith.constant 1.000000e+00 : f32
    %add3A_669 = vector.broadcast %add3A_668 : f32 to vector<100x128xf32>
    %add3A_670 = arith.addf %add3A_669, %tanh3A_667 : vector<100x128xf32>
    %mul3A_671 = arith.constant 5.000000e-01 : f32
    %mul3A_672 = vector.broadcast %mul3A_671 : f32 to vector<100x128xf32>
    %mul3A_673 = arith.mulf %mul3A_672, %add3A_670 : vector<100x128xf32>
    %slice3A_674 = vector.extract_strided_slice %add3A_662 {offsets = [0, 128], sizes = [100, 128], strides = [1, 1]} : vector<100x256xf32> to vector<100x128xf32>
    %tanh3A_675 = math.tanh %slice3A_674 : vector<100x128xf32>
    %sub3A_676 = arith.constant 1.000000e+00 : f32
    %sub3A_677 = vector.broadcast %sub3A_676 : f32 to vector<100x128xf32>
    %sub3A_678 = arith.subf %sub3A_677, %mul3A_673 : vector<100x128xf32>
    %mul3A_679 = arith.mulf %sub3A_678, %tanh3A_675 : vector<100x128xf32>
    %mul3A_680 = vector.broadcast %select_n3A : vector<100x1xf32> to vector<100x128xf32>
    %mul3A_681 = arith.mulf %mul3A_679, %mul3A_680 : vector<100x128xf32>
    %reduce_sum3A_682 = arith.constant dense<0.000000e+00> : vector<128xf32>
    %reduce_sum3A_683 = vector.multi_reduction <add>, %mul3A_681, %reduce_sum3A_682 [0] : vector<100x128xf32> to vector<128xf32>
    %broadcast_in_dim3A_684 = vector.shape_cast %reduce_sum3A_683 : vector<128xf32> to vector<1x128xf32>
    %sub3A_685 = arith.constant 1.000000e+00 : f32
    %sub3A_686 = vector.broadcast %sub3A_685 : f32 to vector<100x1xf32>
    %sub3A_687 = arith.subf %sub3A_686, %select_n3A : vector<100x1xf32>
    %mul3A_688 = vector.broadcast %sub3A_687 : vector<100x1xf32> to vector<100x128xf32>
    %mul3A_689 = arith.mulf %mul3A_679, %mul3A_688 : vector<100x128xf32>
    %reduce_sum3A_690 = arith.constant dense<0.000000e+00> : vector<128xf32>
    %reduce_sum3A_691 = vector.multi_reduction <add>, %mul3A_689, %reduce_sum3A_690 [0] : vector<100x128xf32> to vector<128xf32>
    %broadcast_in_dim3A_692 = vector.shape_cast %reduce_sum3A_691 : vector<128xf32> to vector<1x128xf32>
    %slice3A_693 = vector.extract_strided_slice %dot_general3A_11 {offsets = [0, 2304], sizes = [100, 128], strides = [1, 1]} : vector<100x4096xf32> to vector<100x128xf32>
    %get3A_694 = arith.constant 0 : index
    %get3A_695 = arith.constant 0 : index
    %get3A_696 = vector.load %arg20[%get3A_694, %get3A_695] : memref<128x256xf32, #tpu.memory_space<vmem>>, vector<128x256xf32>
    %dot_general3A_697 = arith.constant dense<0.000000e+00> : vector<100x256xf32>
    %dot_general3A_698 = tpu.matmul %slice3A_693, %get3A_696, %dot_general3A_697 {dimension_numbers = #tpu.dot_dimension_numbers<[1], [0], [0], [1], [0, 0, 1, 1], [], []>, transpose_lhs_hint = false} : vector<100x128xf32>, vector<128x256xf32>, vector<100x256xf32> -> vector<100x256xf32>
    %add3A_699 = vector.broadcast %get3A_14 : vector<1x256xf32> to vector<100x256xf32>
    %add3A_700 = arith.addf %dot_general3A_698, %add3A_699 : vector<100x256xf32>
    %slice3A_701 = vector.extract_strided_slice %add3A_700 {offsets = [0, 0], sizes = [100, 128], strides = [1, 1]} : vector<100x256xf32> to vector<100x128xf32>
    %mul3A_702 = arith.constant 5.000000e-01 : f32
    %mul3A_703 = vector.broadcast %mul3A_702 : f32 to vector<100x128xf32>
    %mul3A_704 = arith.mulf %mul3A_703, %slice3A_701 : vector<100x128xf32>
    %tanh3A_705 = math.tanh %mul3A_704 : vector<100x128xf32>
    %add3A_706 = arith.constant 1.000000e+00 : f32
    %add3A_707 = vector.broadcast %add3A_706 : f32 to vector<100x128xf32>
    %add3A_708 = arith.addf %add3A_707, %tanh3A_705 : vector<100x128xf32>
    %mul3A_709 = arith.constant 5.000000e-01 : f32
    %mul3A_710 = vector.broadcast %mul3A_709 : f32 to vector<100x128xf32>
    %mul3A_711 = arith.mulf %mul3A_710, %add3A_708 : vector<100x128xf32>
    %slice3A_712 = vector.extract_strided_slice %add3A_700 {offsets = [0, 128], sizes = [100, 128], strides = [1, 1]} : vector<100x256xf32> to vector<100x128xf32>
    %tanh3A_713 = math.tanh %slice3A_712 : vector<100x128xf32>
    %sub3A_714 = arith.constant 1.000000e+00 : f32
    %sub3A_715 = vector.broadcast %sub3A_714 : f32 to vector<100x128xf32>
    %sub3A_716 = arith.subf %sub3A_715, %mul3A_711 : vector<100x128xf32>
    %mul3A_717 = arith.mulf %sub3A_716, %tanh3A_713 : vector<100x128xf32>
    %mul3A_718 = vector.broadcast %select_n3A : vector<100x1xf32> to vector<100x128xf32>
    %mul3A_719 = arith.mulf %mul3A_717, %mul3A_718 : vector<100x128xf32>
    %reduce_sum3A_720 = arith.constant dense<0.000000e+00> : vector<128xf32>
    %reduce_sum3A_721 = vector.multi_reduction <add>, %mul3A_719, %reduce_sum3A_720 [0] : vector<100x128xf32> to vector<128xf32>
    %broadcast_in_dim3A_722 = vector.shape_cast %reduce_sum3A_721 : vector<128xf32> to vector<1x128xf32>
    %sub3A_723 = arith.constant 1.000000e+00 : f32
    %sub3A_724 = vector.broadcast %sub3A_723 : f32 to vector<100x1xf32>
    %sub3A_725 = arith.subf %sub3A_724, %select_n3A : vector<100x1xf32>
    %mul3A_726 = vector.broadcast %sub3A_725 : vector<100x1xf32> to vector<100x128xf32>
    %mul3A_727 = arith.mulf %mul3A_717, %mul3A_726 : vector<100x128xf32>
    %reduce_sum3A_728 = arith.constant dense<0.000000e+00> : vector<128xf32>
    %reduce_sum3A_729 = vector.multi_reduction <add>, %mul3A_727, %reduce_sum3A_728 [0] : vector<100x128xf32> to vector<128xf32>
    %broadcast_in_dim3A_730 = vector.shape_cast %reduce_sum3A_729 : vector<128xf32> to vector<1x128xf32>
    %slice3A_731 = vector.extract_strided_slice %dot_general3A_11 {offsets = [0, 2432], sizes = [100, 128], strides = [1, 1]} : vector<100x4096xf32> to vector<100x128xf32>
    %get3A_732 = arith.constant 0 : index
    %get3A_733 = arith.constant 0 : index
    %get3A_734 = vector.load %arg20[%get3A_732, %get3A_733] : memref<128x256xf32, #tpu.memory_space<vmem>>, vector<128x256xf32>
    %dot_general3A_735 = arith.constant dense<0.000000e+00> : vector<100x256xf32>
    %dot_general3A_736 = tpu.matmul %slice3A_731, %get3A_734, %dot_general3A_735 {dimension_numbers = #tpu.dot_dimension_numbers<[1], [0], [0], [1], [0, 0, 1, 1], [], []>, transpose_lhs_hint = false} : vector<100x128xf32>, vector<128x256xf32>, vector<100x256xf32> -> vector<100x256xf32>
    %add3A_737 = vector.broadcast %get3A_14 : vector<1x256xf32> to vector<100x256xf32>
    %add3A_738 = arith.addf %dot_general3A_736, %add3A_737 : vector<100x256xf32>
    %slice3A_739 = vector.extract_strided_slice %add3A_738 {offsets = [0, 0], sizes = [100, 128], strides = [1, 1]} : vector<100x256xf32> to vector<100x128xf32>
    %mul3A_740 = arith.constant 5.000000e-01 : f32
    %mul3A_741 = vector.broadcast %mul3A_740 : f32 to vector<100x128xf32>
    %mul3A_742 = arith.mulf %mul3A_741, %slice3A_739 : vector<100x128xf32>
    %tanh3A_743 = math.tanh %mul3A_742 : vector<100x128xf32>
    %add3A_744 = arith.constant 1.000000e+00 : f32
    %add3A_745 = vector.broadcast %add3A_744 : f32 to vector<100x128xf32>
    %add3A_746 = arith.addf %add3A_745, %tanh3A_743 : vector<100x128xf32>
    %mul3A_747 = arith.constant 5.000000e-01 : f32
    %mul3A_748 = vector.broadcast %mul3A_747 : f32 to vector<100x128xf32>
    %mul3A_749 = arith.mulf %mul3A_748, %add3A_746 : vector<100x128xf32>
    %slice3A_750 = vector.extract_strided_slice %add3A_738 {offsets = [0, 128], sizes = [100, 128], strides = [1, 1]} : vector<100x256xf32> to vector<100x128xf32>
    %tanh3A_751 = math.tanh %slice3A_750 : vector<100x128xf32>
    %sub3A_752 = arith.constant 1.000000e+00 : f32
    %sub3A_753 = vector.broadcast %sub3A_752 : f32 to vector<100x128xf32>
    %sub3A_754 = arith.subf %sub3A_753, %mul3A_749 : vector<100x128xf32>
    %mul3A_755 = arith.mulf %sub3A_754, %tanh3A_751 : vector<100x128xf32>
    %mul3A_756 = vector.broadcast %select_n3A : vector<100x1xf32> to vector<100x128xf32>
    %mul3A_757 = arith.mulf %mul3A_755, %mul3A_756 : vector<100x128xf32>
    %reduce_sum3A_758 = arith.constant dense<0.000000e+00> : vector<128xf32>
    %reduce_sum3A_759 = vector.multi_reduction <add>, %mul3A_757, %reduce_sum3A_758 [0] : vector<100x128xf32> to vector<128xf32>
    %broadcast_in_dim3A_760 = vector.shape_cast %reduce_sum3A_759 : vector<128xf32> to vector<1x128xf32>
    %sub3A_761 = arith.constant 1.000000e+00 : f32
    %sub3A_762 = vector.broadcast %sub3A_761 : f32 to vector<100x1xf32>
    %sub3A_763 = arith.subf %sub3A_762, %select_n3A : vector<100x1xf32>
    %mul3A_764 = vector.broadcast %sub3A_763 : vector<100x1xf32> to vector<100x128xf32>
    %mul3A_765 = arith.mulf %mul3A_755, %mul3A_764 : vector<100x128xf32>
    %reduce_sum3A_766 = arith.constant dense<0.000000e+00> : vector<128xf32>
    %reduce_sum3A_767 = vector.multi_reduction <add>, %mul3A_765, %reduce_sum3A_766 [0] : vector<100x128xf32> to vector<128xf32>
    %broadcast_in_dim3A_768 = vector.shape_cast %reduce_sum3A_767 : vector<128xf32> to vector<1x128xf32>
    %slice3A_769 = vector.extract_strided_slice %dot_general3A_11 {offsets = [0, 2560], sizes = [100, 128], strides = [1, 1]} : vector<100x4096xf32> to vector<100x128xf32>
    %get3A_770 = arith.constant 0 : index
    %get3A_771 = arith.constant 0 : index
    %get3A_772 = vector.load %arg20[%get3A_770, %get3A_771] : memref<128x256xf32, #tpu.memory_space<vmem>>, vector<128x256xf32>
    %dot_general3A_773 = arith.constant dense<0.000000e+00> : vector<100x256xf32>
    %dot_general3A_774 = tpu.matmul %slice3A_769, %get3A_772, %dot_general3A_773 {dimension_numbers = #tpu.dot_dimension_numbers<[1], [0], [0], [1], [0, 0, 1, 1], [], []>, transpose_lhs_hint = false} : vector<100x128xf32>, vector<128x256xf32>, vector<100x256xf32> -> vector<100x256xf32>
    %add3A_775 = vector.broadcast %get3A_14 : vector<1x256xf32> to vector<100x256xf32>
    %add3A_776 = arith.addf %dot_general3A_774, %add3A_775 : vector<100x256xf32>
    %slice3A_777 = vector.extract_strided_slice %add3A_776 {offsets = [0, 0], sizes = [100, 128], strides = [1, 1]} : vector<100x256xf32> to vector<100x128xf32>
    %mul3A_778 = arith.constant 5.000000e-01 : f32
    %mul3A_779 = vector.broadcast %mul3A_778 : f32 to vector<100x128xf32>
    %mul3A_780 = arith.mulf %mul3A_779, %slice3A_777 : vector<100x128xf32>
    %tanh3A_781 = math.tanh %mul3A_780 : vector<100x128xf32>
    %add3A_782 = arith.constant 1.000000e+00 : f32
    %add3A_783 = vector.broadcast %add3A_782 : f32 to vector<100x128xf32>
    %add3A_784 = arith.addf %add3A_783, %tanh3A_781 : vector<100x128xf32>
    %mul3A_785 = arith.constant 5.000000e-01 : f32
    %mul3A_786 = vector.broadcast %mul3A_785 : f32 to vector<100x128xf32>
    %mul3A_787 = arith.mulf %mul3A_786, %add3A_784 : vector<100x128xf32>
    %slice3A_788 = vector.extract_strided_slice %add3A_776 {offsets = [0, 128], sizes = [100, 128], strides = [1, 1]} : vector<100x256xf32> to vector<100x128xf32>
    %tanh3A_789 = math.tanh %slice3A_788 : vector<100x128xf32>
    %sub3A_790 = arith.constant 1.000000e+00 : f32
    %sub3A_791 = vector.broadcast %sub3A_790 : f32 to vector<100x128xf32>
    %sub3A_792 = arith.subf %sub3A_791, %mul3A_787 : vector<100x128xf32>
    %mul3A_793 = arith.mulf %sub3A_792, %tanh3A_789 : vector<100x128xf32>
    %mul3A_794 = vector.broadcast %select_n3A : vector<100x1xf32> to vector<100x128xf32>
    %mul3A_795 = arith.mulf %mul3A_793, %mul3A_794 : vector<100x128xf32>
    %reduce_sum3A_796 = arith.constant dense<0.000000e+00> : vector<128xf32>
    %reduce_sum3A_797 = vector.multi_reduction <add>, %mul3A_795, %reduce_sum3A_796 [0] : vector<100x128xf32> to vector<128xf32>
    %broadcast_in_dim3A_798 = vector.shape_cast %reduce_sum3A_797 : vector<128xf32> to vector<1x128xf32>
    %sub3A_799 = arith.constant 1.000000e+00 : f32
    %sub3A_800 = vector.broadcast %sub3A_799 : f32 to vector<100x1xf32>
    %sub3A_801 = arith.subf %sub3A_800, %select_n3A : vector<100x1xf32>
    %mul3A_802 = vector.broadcast %sub3A_801 : vector<100x1xf32> to vector<100x128xf32>
    %mul3A_803 = arith.mulf %mul3A_793, %mul3A_802 : vector<100x128xf32>
    %reduce_sum3A_804 = arith.constant dense<0.000000e+00> : vector<128xf32>
    %reduce_sum3A_805 = vector.multi_reduction <add>, %mul3A_803, %reduce_sum3A_804 [0] : vector<100x128xf32> to vector<128xf32>
    %broadcast_in_dim3A_806 = vector.shape_cast %reduce_sum3A_805 : vector<128xf32> to vector<1x128xf32>
    %slice3A_807 = vector.extract_strided_slice %dot_general3A_11 {offsets = [0, 2688], sizes = [100, 128], strides = [1, 1]} : vector<100x4096xf32> to vector<100x128xf32>
    %get3A_808 = arith.constant 0 : index
    %get3A_809 = arith.constant 0 : index
    %get3A_810 = vector.load %arg20[%get3A_808, %get3A_809] : memref<128x256xf32, #tpu.memory_space<vmem>>, vector<128x256xf32>
    %dot_general3A_811 = arith.constant dense<0.000000e+00> : vector<100x256xf32>
    %dot_general3A_812 = tpu.matmul %slice3A_807, %get3A_810, %dot_general3A_811 {dimension_numbers = #tpu.dot_dimension_numbers<[1], [0], [0], [1], [0, 0, 1, 1], [], []>, transpose_lhs_hint = false} : vector<100x128xf32>, vector<128x256xf32>, vector<100x256xf32> -> vector<100x256xf32>
    %add3A_813 = vector.broadcast %get3A_14 : vector<1x256xf32> to vector<100x256xf32>
    %add3A_814 = arith.addf %dot_general3A_812, %add3A_813 : vector<100x256xf32>
    %slice3A_815 = vector.extract_strided_slice %add3A_814 {offsets = [0, 0], sizes = [100, 128], strides = [1, 1]} : vector<100x256xf32> to vector<100x128xf32>
    %mul3A_816 = arith.constant 5.000000e-01 : f32
    %mul3A_817 = vector.broadcast %mul3A_816 : f32 to vector<100x128xf32>
    %mul3A_818 = arith.mulf %mul3A_817, %slice3A_815 : vector<100x128xf32>
    %tanh3A_819 = math.tanh %mul3A_818 : vector<100x128xf32>
    %add3A_820 = arith.constant 1.000000e+00 : f32
    %add3A_821 = vector.broadcast %add3A_820 : f32 to vector<100x128xf32>
    %add3A_822 = arith.addf %add3A_821, %tanh3A_819 : vector<100x128xf32>
    %mul3A_823 = arith.constant 5.000000e-01 : f32
    %mul3A_824 = vector.broadcast %mul3A_823 : f32 to vector<100x128xf32>
    %mul3A_825 = arith.mulf %mul3A_824, %add3A_822 : vector<100x128xf32>
    %slice3A_826 = vector.extract_strided_slice %add3A_814 {offsets = [0, 128], sizes = [100, 128], strides = [1, 1]} : vector<100x256xf32> to vector<100x128xf32>
    %tanh3A_827 = math.tanh %slice3A_826 : vector<100x128xf32>
    %sub3A_828 = arith.constant 1.000000e+00 : f32
    %sub3A_829 = vector.broadcast %sub3A_828 : f32 to vector<100x128xf32>
    %sub3A_830 = arith.subf %sub3A_829, %mul3A_825 : vector<100x128xf32>
    %mul3A_831 = arith.mulf %sub3A_830, %tanh3A_827 : vector<100x128xf32>
    %mul3A_832 = vector.broadcast %select_n3A : vector<100x1xf32> to vector<100x128xf32>
    %mul3A_833 = arith.mulf %mul3A_831, %mul3A_832 : vector<100x128xf32>
    %reduce_sum3A_834 = arith.constant dense<0.000000e+00> : vector<128xf32>
    %reduce_sum3A_835 = vector.multi_reduction <add>, %mul3A_833, %reduce_sum3A_834 [0] : vector<100x128xf32> to vector<128xf32>
    %broadcast_in_dim3A_836 = vector.shape_cast %reduce_sum3A_835 : vector<128xf32> to vector<1x128xf32>
    %sub3A_837 = arith.constant 1.000000e+00 : f32
    %sub3A_838 = vector.broadcast %sub3A_837 : f32 to vector<100x1xf32>
    %sub3A_839 = arith.subf %sub3A_838, %select_n3A : vector<100x1xf32>
    %mul3A_840 = vector.broadcast %sub3A_839 : vector<100x1xf32> to vector<100x128xf32>
    %mul3A_841 = arith.mulf %mul3A_831, %mul3A_840 : vector<100x128xf32>
    %reduce_sum3A_842 = arith.constant dense<0.000000e+00> : vector<128xf32>
    %reduce_sum3A_843 = vector.multi_reduction <add>, %mul3A_841, %reduce_sum3A_842 [0] : vector<100x128xf32> to vector<128xf32>
    %broadcast_in_dim3A_844 = vector.shape_cast %reduce_sum3A_843 : vector<128xf32> to vector<1x128xf32>
    %slice3A_845 = vector.extract_strided_slice %dot_general3A_11 {offsets = [0, 2816], sizes = [100, 128], strides = [1, 1]} : vector<100x4096xf32> to vector<100x128xf32>
    %get3A_846 = arith.constant 0 : index
    %get3A_847 = arith.constant 0 : index
    %get3A_848 = vector.load %arg20[%get3A_846, %get3A_847] : memref<128x256xf32, #tpu.memory_space<vmem>>, vector<128x256xf32>
    %dot_general3A_849 = arith.constant dense<0.000000e+00> : vector<100x256xf32>
    %dot_general3A_850 = tpu.matmul %slice3A_845, %get3A_848, %dot_general3A_849 {dimension_numbers = #tpu.dot_dimension_numbers<[1], [0], [0], [1], [0, 0, 1, 1], [], []>, transpose_lhs_hint = false} : vector<100x128xf32>, vector<128x256xf32>, vector<100x256xf32> -> vector<100x256xf32>
    %add3A_851 = vector.broadcast %get3A_14 : vector<1x256xf32> to vector<100x256xf32>
    %add3A_852 = arith.addf %dot_general3A_850, %add3A_851 : vector<100x256xf32>
    %slice3A_853 = vector.extract_strided_slice %add3A_852 {offsets = [0, 0], sizes = [100, 128], strides = [1, 1]} : vector<100x256xf32> to vector<100x128xf32>
    %mul3A_854 = arith.constant 5.000000e-01 : f32
    %mul3A_855 = vector.broadcast %mul3A_854 : f32 to vector<100x128xf32>
    %mul3A_856 = arith.mulf %mul3A_855, %slice3A_853 : vector<100x128xf32>
    %tanh3A_857 = math.tanh %mul3A_856 : vector<100x128xf32>
    %add3A_858 = arith.constant 1.000000e+00 : f32
    %add3A_859 = vector.broadcast %add3A_858 : f32 to vector<100x128xf32>
    %add3A_860 = arith.addf %add3A_859, %tanh3A_857 : vector<100x128xf32>
    %mul3A_861 = arith.constant 5.000000e-01 : f32
    %mul3A_862 = vector.broadcast %mul3A_861 : f32 to vector<100x128xf32>
    %mul3A_863 = arith.mulf %mul3A_862, %add3A_860 : vector<100x128xf32>
    %slice3A_864 = vector.extract_strided_slice %add3A_852 {offsets = [0, 128], sizes = [100, 128], strides = [1, 1]} : vector<100x256xf32> to vector<100x128xf32>
    %tanh3A_865 = math.tanh %slice3A_864 : vector<100x128xf32>
    %sub3A_866 = arith.constant 1.000000e+00 : f32
    %sub3A_867 = vector.broadcast %sub3A_866 : f32 to vector<100x128xf32>
    %sub3A_868 = arith.subf %sub3A_867, %mul3A_863 : vector<100x128xf32>
    %mul3A_869 = arith.mulf %sub3A_868, %tanh3A_865 : vector<100x128xf32>
    %mul3A_870 = vector.broadcast %select_n3A : vector<100x1xf32> to vector<100x128xf32>
    %mul3A_871 = arith.mulf %mul3A_869, %mul3A_870 : vector<100x128xf32>
    %reduce_sum3A_872 = arith.constant dense<0.000000e+00> : vector<128xf32>
    %reduce_sum3A_873 = vector.multi_reduction <add>, %mul3A_871, %reduce_sum3A_872 [0] : vector<100x128xf32> to vector<128xf32>
    %broadcast_in_dim3A_874 = vector.shape_cast %reduce_sum3A_873 : vector<128xf32> to vector<1x128xf32>
    %sub3A_875 = arith.constant 1.000000e+00 : f32
    %sub3A_876 = vector.broadcast %sub3A_875 : f32 to vector<100x1xf32>
    %sub3A_877 = arith.subf %sub3A_876, %select_n3A : vector<100x1xf32>
    %mul3A_878 = vector.broadcast %sub3A_877 : vector<100x1xf32> to vector<100x128xf32>
    %mul3A_879 = arith.mulf %mul3A_869, %mul3A_878 : vector<100x128xf32>
    %reduce_sum3A_880 = arith.constant dense<0.000000e+00> : vector<128xf32>
    %reduce_sum3A_881 = vector.multi_reduction <add>, %mul3A_879, %reduce_sum3A_880 [0] : vector<100x128xf32> to vector<128xf32>
    %broadcast_in_dim3A_882 = vector.shape_cast %reduce_sum3A_881 : vector<128xf32> to vector<1x128xf32>
    %slice3A_883 = vector.extract_strided_slice %dot_general3A_11 {offsets = [0, 2944], sizes = [100, 128], strides = [1, 1]} : vector<100x4096xf32> to vector<100x128xf32>
    %get3A_884 = arith.constant 0 : index
    %get3A_885 = arith.constant 0 : index
    %get3A_886 = vector.load %arg20[%get3A_884, %get3A_885] : memref<128x256xf32, #tpu.memory_space<vmem>>, vector<128x256xf32>
    %dot_general3A_887 = arith.constant dense<0.000000e+00> : vector<100x256xf32>
    %dot_general3A_888 = tpu.matmul %slice3A_883, %get3A_886, %dot_general3A_887 {dimension_numbers = #tpu.dot_dimension_numbers<[1], [0], [0], [1], [0, 0, 1, 1], [], []>, transpose_lhs_hint = false} : vector<100x128xf32>, vector<128x256xf32>, vector<100x256xf32> -> vector<100x256xf32>
    %add3A_889 = vector.broadcast %get3A_14 : vector<1x256xf32> to vector<100x256xf32>
    %add3A_890 = arith.addf %dot_general3A_888, %add3A_889 : vector<100x256xf32>
    %slice3A_891 = vector.extract_strided_slice %add3A_890 {offsets = [0, 0], sizes = [100, 128], strides = [1, 1]} : vector<100x256xf32> to vector<100x128xf32>
    %mul3A_892 = arith.constant 5.000000e-01 : f32
    %mul3A_893 = vector.broadcast %mul3A_892 : f32 to vector<100x128xf32>
    %mul3A_894 = arith.mulf %mul3A_893, %slice3A_891 : vector<100x128xf32>
    %tanh3A_895 = math.tanh %mul3A_894 : vector<100x128xf32>
    %add3A_896 = arith.constant 1.000000e+00 : f32
    %add3A_897 = vector.broadcast %add3A_896 : f32 to vector<100x128xf32>
    %add3A_898 = arith.addf %add3A_897, %tanh3A_895 : vector<100x128xf32>
    %mul3A_899 = arith.constant 5.000000e-01 : f32
    %mul3A_900 = vector.broadcast %mul3A_899 : f32 to vector<100x128xf32>
    %mul3A_901 = arith.mulf %mul3A_900, %add3A_898 : vector<100x128xf32>
    %slice3A_902 = vector.extract_strided_slice %add3A_890 {offsets = [0, 128], sizes = [100, 128], strides = [1, 1]} : vector<100x256xf32> to vector<100x128xf32>
    %tanh3A_903 = math.tanh %slice3A_902 : vector<100x128xf32>
    %sub3A_904 = arith.constant 1.000000e+00 : f32
    %sub3A_905 = vector.broadcast %sub3A_904 : f32 to vector<100x128xf32>
    %sub3A_906 = arith.subf %sub3A_905, %mul3A_901 : vector<100x128xf32>
    %mul3A_907 = arith.mulf %sub3A_906, %tanh3A_903 : vector<100x128xf32>
    %mul3A_908 = vector.broadcast %select_n3A : vector<100x1xf32> to vector<100x128xf32>
    %mul3A_909 = arith.mulf %mul3A_907, %mul3A_908 : vector<100x128xf32>
    %reduce_sum3A_910 = arith.constant dense<0.000000e+00> : vector<128xf32>
    %reduce_sum3A_911 = vector.multi_reduction <add>, %mul3A_909, %reduce_sum3A_910 [0] : vector<100x128xf32> to vector<128xf32>
    %broadcast_in_dim3A_912 = vector.shape_cast %reduce_sum3A_911 : vector<128xf32> to vector<1x128xf32>
    %sub3A_913 = arith.constant 1.000000e+00 : f32
    %sub3A_914 = vector.broadcast %sub3A_913 : f32 to vector<100x1xf32>
    %sub3A_915 = arith.subf %sub3A_914, %select_n3A : vector<100x1xf32>
    %mul3A_916 = vector.broadcast %sub3A_915 : vector<100x1xf32> to vector<100x128xf32>
    %mul3A_917 = arith.mulf %mul3A_907, %mul3A_916 : vector<100x128xf32>
    %reduce_sum3A_918 = arith.constant dense<0.000000e+00> : vector<128xf32>
    %reduce_sum3A_919 = vector.multi_reduction <add>, %mul3A_917, %reduce_sum3A_918 [0] : vector<100x128xf32> to vector<128xf32>
    %broadcast_in_dim3A_920 = vector.shape_cast %reduce_sum3A_919 : vector<128xf32> to vector<1x128xf32>
    %slice3A_921 = vector.extract_strided_slice %dot_general3A_11 {offsets = [0, 3072], sizes = [100, 128], strides = [1, 1]} : vector<100x4096xf32> to vector<100x128xf32>
    %get3A_922 = arith.constant 0 : index
    %get3A_923 = arith.constant 0 : index
    %get3A_924 = vector.load %arg20[%get3A_922, %get3A_923] : memref<128x256xf32, #tpu.memory_space<vmem>>, vector<128x256xf32>
    %dot_general3A_925 = arith.constant dense<0.000000e+00> : vector<100x256xf32>
    %dot_general3A_926 = tpu.matmul %slice3A_921, %get3A_924, %dot_general3A_925 {dimension_numbers = #tpu.dot_dimension_numbers<[1], [0], [0], [1], [0, 0, 1, 1], [], []>, transpose_lhs_hint = false} : vector<100x128xf32>, vector<128x256xf32>, vector<100x256xf32> -> vector<100x256xf32>
    %add3A_927 = vector.broadcast %get3A_14 : vector<1x256xf32> to vector<100x256xf32>
    %add3A_928 = arith.addf %dot_general3A_926, %add3A_927 : vector<100x256xf32>
    %slice3A_929 = vector.extract_strided_slice %add3A_928 {offsets = [0, 0], sizes = [100, 128], strides = [1, 1]} : vector<100x256xf32> to vector<100x128xf32>
    %mul3A_930 = arith.constant 5.000000e-01 : f32
    %mul3A_931 = vector.broadcast %mul3A_930 : f32 to vector<100x128xf32>
    %mul3A_932 = arith.mulf %mul3A_931, %slice3A_929 : vector<100x128xf32>
    %tanh3A_933 = math.tanh %mul3A_932 : vector<100x128xf32>
    %add3A_934 = arith.constant 1.000000e+00 : f32
    %add3A_935 = vector.broadcast %add3A_934 : f32 to vector<100x128xf32>
    %add3A_936 = arith.addf %add3A_935, %tanh3A_933 : vector<100x128xf32>
    %mul3A_937 = arith.constant 5.000000e-01 : f32
    %mul3A_938 = vector.broadcast %mul3A_937 : f32 to vector<100x128xf32>
    %mul3A_939 = arith.mulf %mul3A_938, %add3A_936 : vector<100x128xf32>
    %slice3A_940 = vector.extract_strided_slice %add3A_928 {offsets = [0, 128], sizes = [100, 128], strides = [1, 1]} : vector<100x256xf32> to vector<100x128xf32>
    %tanh3A_941 = math.tanh %slice3A_940 : vector<100x128xf32>
    %sub3A_942 = arith.constant 1.000000e+00 : f32
    %sub3A_943 = vector.broadcast %sub3A_942 : f32 to vector<100x128xf32>
    %sub3A_944 = arith.subf %sub3A_943, %mul3A_939 : vector<100x128xf32>
    %mul3A_945 = arith.mulf %sub3A_944, %tanh3A_941 : vector<100x128xf32>
    %mul3A_946 = vector.broadcast %select_n3A : vector<100x1xf32> to vector<100x128xf32>
    %mul3A_947 = arith.mulf %mul3A_945, %mul3A_946 : vector<100x128xf32>
    %reduce_sum3A_948 = arith.constant dense<0.000000e+00> : vector<128xf32>
    %reduce_sum3A_949 = vector.multi_reduction <add>, %mul3A_947, %reduce_sum3A_948 [0] : vector<100x128xf32> to vector<128xf32>
    %broadcast_in_dim3A_950 = vector.shape_cast %reduce_sum3A_949 : vector<128xf32> to vector<1x128xf32>
    %sub3A_951 = arith.constant 1.000000e+00 : f32
    %sub3A_952 = vector.broadcast %sub3A_951 : f32 to vector<100x1xf32>
    %sub3A_953 = arith.subf %sub3A_952, %select_n3A : vector<100x1xf32>
    %mul3A_954 = vector.broadcast %sub3A_953 : vector<100x1xf32> to vector<100x128xf32>
    %mul3A_955 = arith.mulf %mul3A_945, %mul3A_954 : vector<100x128xf32>
    %reduce_sum3A_956 = arith.constant dense<0.000000e+00> : vector<128xf32>
    %reduce_sum3A_957 = vector.multi_reduction <add>, %mul3A_955, %reduce_sum3A_956 [0] : vector<100x128xf32> to vector<128xf32>
    %broadcast_in_dim3A_958 = vector.shape_cast %reduce_sum3A_957 : vector<128xf32> to vector<1x128xf32>
    %slice3A_959 = vector.extract_strided_slice %dot_general3A_11 {offsets = [0, 3200], sizes = [100, 128], strides = [1, 1]} : vector<100x4096xf32> to vector<100x128xf32>
    %get3A_960 = arith.constant 0 : index
    %get3A_961 = arith.constant 0 : index
    %get3A_962 = vector.load %arg20[%get3A_960, %get3A_961] : memref<128x256xf32, #tpu.memory_space<vmem>>, vector<128x256xf32>
    %dot_general3A_963 = arith.constant dense<0.000000e+00> : vector<100x256xf32>
    %dot_general3A_964 = tpu.matmul %slice3A_959, %get3A_962, %dot_general3A_963 {dimension_numbers = #tpu.dot_dimension_numbers<[1], [0], [0], [1], [0, 0, 1, 1], [], []>, transpose_lhs_hint = false} : vector<100x128xf32>, vector<128x256xf32>, vector<100x256xf32> -> vector<100x256xf32>
    %add3A_965 = vector.broadcast %get3A_14 : vector<1x256xf32> to vector<100x256xf32>
    %add3A_966 = arith.addf %dot_general3A_964, %add3A_965 : vector<100x256xf32>
    %slice3A_967 = vector.extract_strided_slice %add3A_966 {offsets = [0, 0], sizes = [100, 128], strides = [1, 1]} : vector<100x256xf32> to vector<100x128xf32>
    %mul3A_968 = arith.constant 5.000000e-01 : f32
    %mul3A_969 = vector.broadcast %mul3A_968 : f32 to vector<100x128xf32>
    %mul3A_970 = arith.mulf %mul3A_969, %slice3A_967 : vector<100x128xf32>
    %tanh3A_971 = math.tanh %mul3A_970 : vector<100x128xf32>
    %add3A_972 = arith.constant 1.000000e+00 : f32
    %add3A_973 = vector.broadcast %add3A_972 : f32 to vector<100x128xf32>
    %add3A_974 = arith.addf %add3A_973, %tanh3A_971 : vector<100x128xf32>
    %mul3A_975 = arith.constant 5.000000e-01 : f32
    %mul3A_976 = vector.broadcast %mul3A_975 : f32 to vector<100x128xf32>
    %mul3A_977 = arith.mulf %mul3A_976, %add3A_974 : vector<100x128xf32>
    %slice3A_978 = vector.extract_strided_slice %add3A_966 {offsets = [0, 128], sizes = [100, 128], strides = [1, 1]} : vector<100x256xf32> to vector<100x128xf32>
    %tanh3A_979 = math.tanh %slice3A_978 : vector<100x128xf32>
    %sub3A_980 = arith.constant 1.000000e+00 : f32
    %sub3A_981 = vector.broadcast %sub3A_980 : f32 to vector<100x128xf32>
    %sub3A_982 = arith.subf %sub3A_981, %mul3A_977 : vector<100x128xf32>
    %mul3A_983 = arith.mulf %sub3A_982, %tanh3A_979 : vector<100x128xf32>
    %mul3A_984 = vector.broadcast %select_n3A : vector<100x1xf32> to vector<100x128xf32>
    %mul3A_985 = arith.mulf %mul3A_983, %mul3A_984 : vector<100x128xf32>
    %reduce_sum3A_986 = arith.constant dense<0.000000e+00> : vector<128xf32>
    %reduce_sum3A_987 = vector.multi_reduction <add>, %mul3A_985, %reduce_sum3A_986 [0] : vector<100x128xf32> to vector<128xf32>
    %broadcast_in_dim3A_988 = vector.shape_cast %reduce_sum3A_987 : vector<128xf32> to vector<1x128xf32>
    %sub3A_989 = arith.constant 1.000000e+00 : f32
    %sub3A_990 = vector.broadcast %sub3A_989 : f32 to vector<100x1xf32>
    %sub3A_991 = arith.subf %sub3A_990, %select_n3A : vector<100x1xf32>
    %mul3A_992 = vector.broadcast %sub3A_991 : vector<100x1xf32> to vector<100x128xf32>
    %mul3A_993 = arith.mulf %mul3A_983, %mul3A_992 : vector<100x128xf32>
    %reduce_sum3A_994 = arith.constant dense<0.000000e+00> : vector<128xf32>
    %reduce_sum3A_995 = vector.multi_reduction <add>, %mul3A_993, %reduce_sum3A_994 [0] : vector<100x128xf32> to vector<128xf32>
    %broadcast_in_dim3A_996 = vector.shape_cast %reduce_sum3A_995 : vector<128xf32> to vector<1x128xf32>
    %slice3A_997 = vector.extract_strided_slice %dot_general3A_11 {offsets = [0, 3328], sizes = [100, 128], strides = [1, 1]} : vector<100x4096xf32> to vector<100x128xf32>
    %get3A_998 = arith.constant 0 : index
    %get3A_999 = arith.constant 0 : index
    %get3A_1000 = vector.load %arg20[%get3A_998, %get3A_999] : memref<128x256xf32, #tpu.memory_space<vmem>>, vector<128x256xf32>
    %dot_general3A_1001 = arith.constant dense<0.000000e+00> : vector<100x256xf32>
    %dot_general3A_1002 = tpu.matmul %slice3A_997, %get3A_1000, %dot_general3A_1001 {dimension_numbers = #tpu.dot_dimension_numbers<[1], [0], [0], [1], [0, 0, 1, 1], [], []>, transpose_lhs_hint = false} : vector<100x128xf32>, vector<128x256xf32>, vector<100x256xf32> -> vector<100x256xf32>
    %add3A_1003 = vector.broadcast %get3A_14 : vector<1x256xf32> to vector<100x256xf32>
    %add3A_1004 = arith.addf %dot_general3A_1002, %add3A_1003 : vector<100x256xf32>
    %slice3A_1005 = vector.extract_strided_slice %add3A_1004 {offsets = [0, 0], sizes = [100, 128], strides = [1, 1]} : vector<100x256xf32> to vector<100x128xf32>
    %mul3A_1006 = arith.constant 5.000000e-01 : f32
    %mul3A_1007 = vector.broadcast %mul3A_1006 : f32 to vector<100x128xf32>
    %mul3A_1008 = arith.mulf %mul3A_1007, %slice3A_1005 : vector<100x128xf32>
    %tanh3A_1009 = math.tanh %mul3A_1008 : vector<100x128xf32>
    %add3A_1010 = arith.constant 1.000000e+00 : f32
    %add3A_1011 = vector.broadcast %add3A_1010 : f32 to vector<100x128xf32>
    %add3A_1012 = arith.addf %add3A_1011, %tanh3A_1009 : vector<100x128xf32>
    %mul3A_1013 = arith.constant 5.000000e-01 : f32
    %mul3A_1014 = vector.broadcast %mul3A_1013 : f32 to vector<100x128xf32>
    %mul3A_1015 = arith.mulf %mul3A_1014, %add3A_1012 : vector<100x128xf32>
    %slice3A_1016 = vector.extract_strided_slice %add3A_1004 {offsets = [0, 128], sizes = [100, 128], strides = [1, 1]} : vector<100x256xf32> to vector<100x128xf32>
    %tanh3A_1017 = math.tanh %slice3A_1016 : vector<100x128xf32>
    %sub3A_1018 = arith.constant 1.000000e+00 : f32
    %sub3A_1019 = vector.broadcast %sub3A_1018 : f32 to vector<100x128xf32>
    %sub3A_1020 = arith.subf %sub3A_1019, %mul3A_1015 : vector<100x128xf32>
    %mul3A_1021 = arith.mulf %sub3A_1020, %tanh3A_1017 : vector<100x128xf32>
    %mul3A_1022 = vector.broadcast %select_n3A : vector<100x1xf32> to vector<100x128xf32>
    %mul3A_1023 = arith.mulf %mul3A_1021, %mul3A_1022 : vector<100x128xf32>
    %reduce_sum3A_1024 = arith.constant dense<0.000000e+00> : vector<128xf32>
    %reduce_sum3A_1025 = vector.multi_reduction <add>, %mul3A_1023, %reduce_sum3A_1024 [0] : vector<100x128xf32> to vector<128xf32>
    %broadcast_in_dim3A_1026 = vector.shape_cast %reduce_sum3A_1025 : vector<128xf32> to vector<1x128xf32>
    %sub3A_1027 = arith.constant 1.000000e+00 : f32
    %sub3A_1028 = vector.broadcast %sub3A_1027 : f32 to vector<100x1xf32>
    %sub3A_1029 = arith.subf %sub3A_1028, %select_n3A : vector<100x1xf32>
    %mul3A_1030 = vector.broadcast %sub3A_1029 : vector<100x1xf32> to vector<100x128xf32>
    %mul3A_1031 = arith.mulf %mul3A_1021, %mul3A_1030 : vector<100x128xf32>
    %reduce_sum3A_1032 = arith.constant dense<0.000000e+00> : vector<128xf32>
    %reduce_sum3A_1033 = vector.multi_reduction <add>, %mul3A_1031, %reduce_sum3A_1032 [0] : vector<100x128xf32> to vector<128xf32>
    %broadcast_in_dim3A_1034 = vector.shape_cast %reduce_sum3A_1033 : vector<128xf32> to vector<1x128xf32>
    %slice3A_1035 = vector.extract_strided_slice %dot_general3A_11 {offsets = [0, 3456], sizes = [100, 128], strides = [1, 1]} : vector<100x4096xf32> to vector<100x128xf32>
    %get3A_1036 = arith.constant 0 : index
    %get3A_1037 = arith.constant 0 : index
    %get3A_1038 = vector.load %arg20[%get3A_1036, %get3A_1037] : memref<128x256xf32, #tpu.memory_space<vmem>>, vector<128x256xf32>
    %dot_general3A_1039 = arith.constant dense<0.000000e+00> : vector<100x256xf32>
    %dot_general3A_1040 = tpu.matmul %slice3A_1035, %get3A_1038, %dot_general3A_1039 {dimension_numbers = #tpu.dot_dimension_numbers<[1], [0], [0], [1], [0, 0, 1, 1], [], []>, transpose_lhs_hint = false} : vector<100x128xf32>, vector<128x256xf32>, vector<100x256xf32> -> vector<100x256xf32>
    %add3A_1041 = vector.broadcast %get3A_14 : vector<1x256xf32> to vector<100x256xf32>
    %add3A_1042 = arith.addf %dot_general3A_1040, %add3A_1041 : vector<100x256xf32>
    %slice3A_1043 = vector.extract_strided_slice %add3A_1042 {offsets = [0, 0], sizes = [100, 128], strides = [1, 1]} : vector<100x256xf32> to vector<100x128xf32>
    %mul3A_1044 = arith.constant 5.000000e-01 : f32
    %mul3A_1045 = vector.broadcast %mul3A_1044 : f32 to vector<100x128xf32>
    %mul3A_1046 = arith.mulf %mul3A_1045, %slice3A_1043 : vector<100x128xf32>
    %tanh3A_1047 = math.tanh %mul3A_1046 : vector<100x128xf32>
    %add3A_1048 = arith.constant 1.000000e+00 : f32
    %add3A_1049 = vector.broadcast %add3A_1048 : f32 to vector<100x128xf32>
    %add3A_1050 = arith.addf %add3A_1049, %tanh3A_1047 : vector<100x128xf32>
    %mul3A_1051 = arith.constant 5.000000e-01 : f32
    %mul3A_1052 = vector.broadcast %mul3A_1051 : f32 to vector<100x128xf32>
    %mul3A_1053 = arith.mulf %mul3A_1052, %add3A_1050 : vector<100x128xf32>
    %slice3A_1054 = vector.extract_strided_slice %add3A_1042 {offsets = [0, 128], sizes = [100, 128], strides = [1, 1]} : vector<100x256xf32> to vector<100x128xf32>
    %tanh3A_1055 = math.tanh %slice3A_1054 : vector<100x128xf32>
    %sub3A_1056 = arith.constant 1.000000e+00 : f32
    %sub3A_1057 = vector.broadcast %sub3A_1056 : f32 to vector<100x128xf32>
    %sub3A_1058 = arith.subf %sub3A_1057, %mul3A_1053 : vector<100x128xf32>
    %mul3A_1059 = arith.mulf %sub3A_1058, %tanh3A_1055 : vector<100x128xf32>
    %mul3A_1060 = vector.broadcast %select_n3A : vector<100x1xf32> to vector<100x128xf32>
    %mul3A_1061 = arith.mulf %mul3A_1059, %mul3A_1060 : vector<100x128xf32>
    %reduce_sum3A_1062 = arith.constant dense<0.000000e+00> : vector<128xf32>
    %reduce_sum3A_1063 = vector.multi_reduction <add>, %mul3A_1061, %reduce_sum3A_1062 [0] : vector<100x128xf32> to vector<128xf32>
    %broadcast_in_dim3A_1064 = vector.shape_cast %reduce_sum3A_1063 : vector<128xf32> to vector<1x128xf32>
    %sub3A_1065 = arith.constant 1.000000e+00 : f32
    %sub3A_1066 = vector.broadcast %sub3A_1065 : f32 to vector<100x1xf32>
    %sub3A_1067 = arith.subf %sub3A_1066, %select_n3A : vector<100x1xf32>
    %mul3A_1068 = vector.broadcast %sub3A_1067 : vector<100x1xf32> to vector<100x128xf32>
    %mul3A_1069 = arith.mulf %mul3A_1059, %mul3A_1068 : vector<100x128xf32>
    %reduce_sum3A_1070 = arith.constant dense<0.000000e+00> : vector<128xf32>
    %reduce_sum3A_1071 = vector.multi_reduction <add>, %mul3A_1069, %reduce_sum3A_1070 [0] : vector<100x128xf32> to vector<128xf32>
    %broadcast_in_dim3A_1072 = vector.shape_cast %reduce_sum3A_1071 : vector<128xf32> to vector<1x128xf32>
    %slice3A_1073 = vector.extract_strided_slice %dot_general3A_11 {offsets = [0, 3584], sizes = [100, 128], strides = [1, 1]} : vector<100x4096xf32> to vector<100x128xf32>
    %get3A_1074 = arith.constant 0 : index
    %get3A_1075 = arith.constant 0 : index
    %get3A_1076 = vector.load %arg20[%get3A_1074, %get3A_1075] : memref<128x256xf32, #tpu.memory_space<vmem>>, vector<128x256xf32>
    %dot_general3A_1077 = arith.constant dense<0.000000e+00> : vector<100x256xf32>
    %dot_general3A_1078 = tpu.matmul %slice3A_1073, %get3A_1076, %dot_general3A_1077 {dimension_numbers = #tpu.dot_dimension_numbers<[1], [0], [0], [1], [0, 0, 1, 1], [], []>, transpose_lhs_hint = false} : vector<100x128xf32>, vector<128x256xf32>, vector<100x256xf32> -> vector<100x256xf32>
    %add3A_1079 = vector.broadcast %get3A_14 : vector<1x256xf32> to vector<100x256xf32>
    %add3A_1080 = arith.addf %dot_general3A_1078, %add3A_1079 : vector<100x256xf32>
    %slice3A_1081 = vector.extract_strided_slice %add3A_1080 {offsets = [0, 0], sizes = [100, 128], strides = [1, 1]} : vector<100x256xf32> to vector<100x128xf32>
    %mul3A_1082 = arith.constant 5.000000e-01 : f32
    %mul3A_1083 = vector.broadcast %mul3A_1082 : f32 to vector<100x128xf32>
    %mul3A_1084 = arith.mulf %mul3A_1083, %slice3A_1081 : vector<100x128xf32>
    %tanh3A_1085 = math.tanh %mul3A_1084 : vector<100x128xf32>
    %add3A_1086 = arith.constant 1.000000e+00 : f32
    %add3A_1087 = vector.broadcast %add3A_1086 : f32 to vector<100x128xf32>
    %add3A_1088 = arith.addf %add3A_1087, %tanh3A_1085 : vector<100x128xf32>
    %mul3A_1089 = arith.constant 5.000000e-01 : f32
    %mul3A_1090 = vector.broadcast %mul3A_1089 : f32 to vector<100x128xf32>
    %mul3A_1091 = arith.mulf %mul3A_1090, %add3A_1088 : vector<100x128xf32>
    %slice3A_1092 = vector.extract_strided_slice %add3A_1080 {offsets = [0, 128], sizes = [100, 128], strides = [1, 1]} : vector<100x256xf32> to vector<100x128xf32>
    %tanh3A_1093 = math.tanh %slice3A_1092 : vector<100x128xf32>
    %sub3A_1094 = arith.constant 1.000000e+00 : f32
    %sub3A_1095 = vector.broadcast %sub3A_1094 : f32 to vector<100x128xf32>
    %sub3A_1096 = arith.subf %sub3A_1095, %mul3A_1091 : vector<100x128xf32>
    %mul3A_1097 = arith.mulf %sub3A_1096, %tanh3A_1093 : vector<100x128xf32>
    %mul3A_1098 = vector.broadcast %select_n3A : vector<100x1xf32> to vector<100x128xf32>
    %mul3A_1099 = arith.mulf %mul3A_1097, %mul3A_1098 : vector<100x128xf32>
    %reduce_sum3A_1100 = arith.constant dense<0.000000e+00> : vector<128xf32>
    %reduce_sum3A_1101 = vector.multi_reduction <add>, %mul3A_1099, %reduce_sum3A_1100 [0] : vector<100x128xf32> to vector<128xf32>
    %broadcast_in_dim3A_1102 = vector.shape_cast %reduce_sum3A_1101 : vector<128xf32> to vector<1x128xf32>
    %sub3A_1103 = arith.constant 1.000000e+00 : f32
    %sub3A_1104 = vector.broadcast %sub3A_1103 : f32 to vector<100x1xf32>
    %sub3A_1105 = arith.subf %sub3A_1104, %select_n3A : vector<100x1xf32>
    %mul3A_1106 = vector.broadcast %sub3A_1105 : vector<100x1xf32> to vector<100x128xf32>
    %mul3A_1107 = arith.mulf %mul3A_1097, %mul3A_1106 : vector<100x128xf32>
    %reduce_sum3A_1108 = arith.constant dense<0.000000e+00> : vector<128xf32>
    %reduce_sum3A_1109 = vector.multi_reduction <add>, %mul3A_1107, %reduce_sum3A_1108 [0] : vector<100x128xf32> to vector<128xf32>
    %broadcast_in_dim3A_1110 = vector.shape_cast %reduce_sum3A_1109 : vector<128xf32> to vector<1x128xf32>
    %slice3A_1111 = vector.extract_strided_slice %dot_general3A_11 {offsets = [0, 3712], sizes = [100, 128], strides = [1, 1]} : vector<100x4096xf32> to vector<100x128xf32>
    %get3A_1112 = arith.constant 0 : index
    %get3A_1113 = arith.constant 0 : index
    %get3A_1114 = vector.load %arg20[%get3A_1112, %get3A_1113] : memref<128x256xf32, #tpu.memory_space<vmem>>, vector<128x256xf32>
    %dot_general3A_1115 = arith.constant dense<0.000000e+00> : vector<100x256xf32>
    %dot_general3A_1116 = tpu.matmul %slice3A_1111, %get3A_1114, %dot_general3A_1115 {dimension_numbers = #tpu.dot_dimension_numbers<[1], [0], [0], [1], [0, 0, 1, 1], [], []>, transpose_lhs_hint = false} : vector<100x128xf32>, vector<128x256xf32>, vector<100x256xf32> -> vector<100x256xf32>
    %add3A_1117 = vector.broadcast %get3A_14 : vector<1x256xf32> to vector<100x256xf32>
    %add3A_1118 = arith.addf %dot_general3A_1116, %add3A_1117 : vector<100x256xf32>
    %slice3A_1119 = vector.extract_strided_slice %add3A_1118 {offsets = [0, 0], sizes = [100, 128], strides = [1, 1]} : vector<100x256xf32> to vector<100x128xf32>
    %mul3A_1120 = arith.constant 5.000000e-01 : f32
    %mul3A_1121 = vector.broadcast %mul3A_1120 : f32 to vector<100x128xf32>
    %mul3A_1122 = arith.mulf %mul3A_1121, %slice3A_1119 : vector<100x128xf32>
    %tanh3A_1123 = math.tanh %mul3A_1122 : vector<100x128xf32>
    %add3A_1124 = arith.constant 1.000000e+00 : f32
    %add3A_1125 = vector.broadcast %add3A_1124 : f32 to vector<100x128xf32>
    %add3A_1126 = arith.addf %add3A_1125, %tanh3A_1123 : vector<100x128xf32>
    %mul3A_1127 = arith.constant 5.000000e-01 : f32
    %mul3A_1128 = vector.broadcast %mul3A_1127 : f32 to vector<100x128xf32>
    %mul3A_1129 = arith.mulf %mul3A_1128, %add3A_1126 : vector<100x128xf32>
    %slice3A_1130 = vector.extract_strided_slice %add3A_1118 {offsets = [0, 128], sizes = [100, 128], strides = [1, 1]} : vector<100x256xf32> to vector<100x128xf32>
    %tanh3A_1131 = math.tanh %slice3A_1130 : vector<100x128xf32>
    %sub3A_1132 = arith.constant 1.000000e+00 : f32
    %sub3A_1133 = vector.broadcast %sub3A_1132 : f32 to vector<100x128xf32>
    %sub3A_1134 = arith.subf %sub3A_1133, %mul3A_1129 : vector<100x128xf32>
    %mul3A_1135 = arith.mulf %sub3A_1134, %tanh3A_1131 : vector<100x128xf32>
    %mul3A_1136 = vector.broadcast %select_n3A : vector<100x1xf32> to vector<100x128xf32>
    %mul3A_1137 = arith.mulf %mul3A_1135, %mul3A_1136 : vector<100x128xf32>
    %reduce_sum3A_1138 = arith.constant dense<0.000000e+00> : vector<128xf32>
    %reduce_sum3A_1139 = vector.multi_reduction <add>, %mul3A_1137, %reduce_sum3A_1138 [0] : vector<100x128xf32> to vector<128xf32>
    %broadcast_in_dim3A_1140 = vector.shape_cast %reduce_sum3A_1139 : vector<128xf32> to vector<1x128xf32>
    %sub3A_1141 = arith.constant 1.000000e+00 : f32
    %sub3A_1142 = vector.broadcast %sub3A_1141 : f32 to vector<100x1xf32>
    %sub3A_1143 = arith.subf %sub3A_1142, %select_n3A : vector<100x1xf32>
    %mul3A_1144 = vector.broadcast %sub3A_1143 : vector<100x1xf32> to vector<100x128xf32>
    %mul3A_1145 = arith.mulf %mul3A_1135, %mul3A_1144 : vector<100x128xf32>
    %reduce_sum3A_1146 = arith.constant dense<0.000000e+00> : vector<128xf32>
    %reduce_sum3A_1147 = vector.multi_reduction <add>, %mul3A_1145, %reduce_sum3A_1146 [0] : vector<100x128xf32> to vector<128xf32>
    %broadcast_in_dim3A_1148 = vector.shape_cast %reduce_sum3A_1147 : vector<128xf32> to vector<1x128xf32>
    %slice3A_1149 = vector.extract_strided_slice %dot_general3A_11 {offsets = [0, 3840], sizes = [100, 128], strides = [1, 1]} : vector<100x4096xf32> to vector<100x128xf32>
    %get3A_1150 = arith.constant 0 : index
    %get3A_1151 = arith.constant 0 : index
    %get3A_1152 = vector.load %arg20[%get3A_1150, %get3A_1151] : memref<128x256xf32, #tpu.memory_space<vmem>>, vector<128x256xf32>
    %dot_general3A_1153 = arith.constant dense<0.000000e+00> : vector<100x256xf32>
    %dot_general3A_1154 = tpu.matmul %slice3A_1149, %get3A_1152, %dot_general3A_1153 {dimension_numbers = #tpu.dot_dimension_numbers<[1], [0], [0], [1], [0, 0, 1, 1], [], []>, transpose_lhs_hint = false} : vector<100x128xf32>, vector<128x256xf32>, vector<100x256xf32> -> vector<100x256xf32>
    %add3A_1155 = vector.broadcast %get3A_14 : vector<1x256xf32> to vector<100x256xf32>
    %add3A_1156 = arith.addf %dot_general3A_1154, %add3A_1155 : vector<100x256xf32>
    %slice3A_1157 = vector.extract_strided_slice %add3A_1156 {offsets = [0, 0], sizes = [100, 128], strides = [1, 1]} : vector<100x256xf32> to vector<100x128xf32>
    %mul3A_1158 = arith.constant 5.000000e-01 : f32
    %mul3A_1159 = vector.broadcast %mul3A_1158 : f32 to vector<100x128xf32>
    %mul3A_1160 = arith.mulf %mul3A_1159, %slice3A_1157 : vector<100x128xf32>
    %tanh3A_1161 = math.tanh %mul3A_1160 : vector<100x128xf32>
    %add3A_1162 = arith.constant 1.000000e+00 : f32
    %add3A_1163 = vector.broadcast %add3A_1162 : f32 to vector<100x128xf32>
    %add3A_1164 = arith.addf %add3A_1163, %tanh3A_1161 : vector<100x128xf32>
    %mul3A_1165 = arith.constant 5.000000e-01 : f32
    %mul3A_1166 = vector.broadcast %mul3A_1165 : f32 to vector<100x128xf32>
    %mul3A_1167 = arith.mulf %mul3A_1166, %add3A_1164 : vector<100x128xf32>
    %slice3A_1168 = vector.extract_strided_slice %add3A_1156 {offsets = [0, 128], sizes = [100, 128], strides = [1, 1]} : vector<100x256xf32> to vector<100x128xf32>
    %tanh3A_1169 = math.tanh %slice3A_1168 : vector<100x128xf32>
    %sub3A_1170 = arith.constant 1.000000e+00 : f32
    %sub3A_1171 = vector.broadcast %sub3A_1170 : f32 to vector<100x128xf32>
    %sub3A_1172 = arith.subf %sub3A_1171, %mul3A_1167 : vector<100x128xf32>
    %mul3A_1173 = arith.mulf %sub3A_1172, %tanh3A_1169 : vector<100x128xf32>
    %mul3A_1174 = vector.broadcast %select_n3A : vector<100x1xf32> to vector<100x128xf32>
    %mul3A_1175 = arith.mulf %mul3A_1173, %mul3A_1174 : vector<100x128xf32>
    %reduce_sum3A_1176 = arith.constant dense<0.000000e+00> : vector<128xf32>
    %reduce_sum3A_1177 = vector.multi_reduction <add>, %mul3A_1175, %reduce_sum3A_1176 [0] : vector<100x128xf32> to vector<128xf32>
    %broadcast_in_dim3A_1178 = vector.shape_cast %reduce_sum3A_1177 : vector<128xf32> to vector<1x128xf32>
    %sub3A_1179 = arith.constant 1.000000e+00 : f32
    %sub3A_1180 = vector.broadcast %sub3A_1179 : f32 to vector<100x1xf32>
    %sub3A_1181 = arith.subf %sub3A_1180, %select_n3A : vector<100x1xf32>
    %mul3A_1182 = vector.broadcast %sub3A_1181 : vector<100x1xf32> to vector<100x128xf32>
    %mul3A_1183 = arith.mulf %mul3A_1173, %mul3A_1182 : vector<100x128xf32>
    %reduce_sum3A_1184 = arith.constant dense<0.000000e+00> : vector<128xf32>
    %reduce_sum3A_1185 = vector.multi_reduction <add>, %mul3A_1183, %reduce_sum3A_1184 [0] : vector<100x128xf32> to vector<128xf32>
    %broadcast_in_dim3A_1186 = vector.shape_cast %reduce_sum3A_1185 : vector<128xf32> to vector<1x128xf32>
    %slice3A_1187 = vector.extract_strided_slice %dot_general3A_11 {offsets = [0, 3968], sizes = [100, 128], strides = [1, 1]} : vector<100x4096xf32> to vector<100x128xf32>
    %get3A_1188 = arith.constant 0 : index
    %get3A_1189 = arith.constant 0 : index
    %get3A_1190 = vector.load %arg20[%get3A_1188, %get3A_1189] : memref<128x256xf32, #tpu.memory_space<vmem>>, vector<128x256xf32>
    %dot_general3A_1191 = arith.constant dense<0.000000e+00> : vector<100x256xf32>
    %dot_general3A_1192 = tpu.matmul %slice3A_1187, %get3A_1190, %dot_general3A_1191 {dimension_numbers = #tpu.dot_dimension_numbers<[1], [0], [0], [1], [0, 0, 1, 1], [], []>, transpose_lhs_hint = false} : vector<100x128xf32>, vector<128x256xf32>, vector<100x256xf32> -> vector<100x256xf32>
    %add3A_1193 = vector.broadcast %get3A_14 : vector<1x256xf32> to vector<100x256xf32>
    %add3A_1194 = arith.addf %dot_general3A_1192, %add3A_1193 : vector<100x256xf32>
    %slice3A_1195 = vector.extract_strided_slice %add3A_1194 {offsets = [0, 0], sizes = [100, 128], strides = [1, 1]} : vector<100x256xf32> to vector<100x128xf32>
    %mul3A_1196 = arith.constant 5.000000e-01 : f32
    %mul3A_1197 = vector.broadcast %mul3A_1196 : f32 to vector<100x128xf32>
    %mul3A_1198 = arith.mulf %mul3A_1197, %slice3A_1195 : vector<100x128xf32>
    %tanh3A_1199 = math.tanh %mul3A_1198 : vector<100x128xf32>
    %add3A_1200 = arith.constant 1.000000e+00 : f32
    %add3A_1201 = vector.broadcast %add3A_1200 : f32 to vector<100x128xf32>
    %add3A_1202 = arith.addf %add3A_1201, %tanh3A_1199 : vector<100x128xf32>
    %mul3A_1203 = arith.constant 5.000000e-01 : f32
    %mul3A_1204 = vector.broadcast %mul3A_1203 : f32 to vector<100x128xf32>
    %mul3A_1205 = arith.mulf %mul3A_1204, %add3A_1202 : vector<100x128xf32>
    %slice3A_1206 = vector.extract_strided_slice %add3A_1194 {offsets = [0, 128], sizes = [100, 128], strides = [1, 1]} : vector<100x256xf32> to vector<100x128xf32>
    %tanh3A_1207 = math.tanh %slice3A_1206 : vector<100x128xf32>
    %sub3A_1208 = arith.constant 1.000000e+00 : f32
    %sub3A_1209 = vector.broadcast %sub3A_1208 : f32 to vector<100x128xf32>
    %sub3A_1210 = arith.subf %sub3A_1209, %mul3A_1205 : vector<100x128xf32>
    %mul3A_1211 = arith.mulf %sub3A_1210, %tanh3A_1207 : vector<100x128xf32>
    %mul3A_1212 = vector.broadcast %select_n3A : vector<100x1xf32> to vector<100x128xf32>
    %mul3A_1213 = arith.mulf %mul3A_1211, %mul3A_1212 : vector<100x128xf32>
    %reduce_sum3A_1214 = arith.constant dense<0.000000e+00> : vector<128xf32>
    %reduce_sum3A_1215 = vector.multi_reduction <add>, %mul3A_1213, %reduce_sum3A_1214 [0] : vector<100x128xf32> to vector<128xf32>
    %broadcast_in_dim3A_1216 = vector.shape_cast %reduce_sum3A_1215 : vector<128xf32> to vector<1x128xf32>
    %sub3A_1217 = arith.constant 1.000000e+00 : f32
    %sub3A_1218 = vector.broadcast %sub3A_1217 : f32 to vector<100x1xf32>
    %sub3A_1219 = arith.subf %sub3A_1218, %select_n3A : vector<100x1xf32>
    %mul3A_1220 = vector.broadcast %sub3A_1219 : vector<100x1xf32> to vector<100x128xf32>
    %mul3A_1221 = arith.mulf %mul3A_1211, %mul3A_1220 : vector<100x128xf32>
    %reduce_sum3A_1222 = arith.constant dense<0.000000e+00> : vector<128xf32>
    %reduce_sum3A_1223 = vector.multi_reduction <add>, %mul3A_1221, %reduce_sum3A_1222 [0] : vector<100x128xf32> to vector<128xf32>
    %broadcast_in_dim3A_1224 = vector.shape_cast %reduce_sum3A_1223 : vector<128xf32> to vector<1x128xf32>
    %concatenate3A = tpu.concatenate %broadcast_in_dim3A_38, %broadcast_in_dim3A_76, %broadcast_in_dim3A_114, %broadcast_in_dim3A_152, %broadcast_in_dim3A_190, %broadcast_in_dim3A_228, %broadcast_in_dim3A_266, %broadcast_in_dim3A_304, %broadcast_in_dim3A_342, %broadcast_in_dim3A_380, %broadcast_in_dim3A_418, %broadcast_in_dim3A_456, %broadcast_in_dim3A_494, %broadcast_in_dim3A_532, %broadcast_in_dim3A_570, %broadcast_in_dim3A_608, %broadcast_in_dim3A_646, %broadcast_in_dim3A_684, %broadcast_in_dim3A_722, %broadcast_in_dim3A_760, %broadcast_in_dim3A_798, %broadcast_in_dim3A_836, %broadcast_in_dim3A_874, %broadcast_in_dim3A_912, %broadcast_in_dim3A_950, %broadcast_in_dim3A_988, %broadcast_in_dim3A_1026, %broadcast_in_dim3A_1064, %broadcast_in_dim3A_1102, %broadcast_in_dim3A_1140, %broadcast_in_dim3A_1178, %broadcast_in_dim3A_1216 in 0 : vector<1x128xf32>, vector<1x128xf32>, vector<1x128xf32>, vector<1x128xf32>, vector<1x128xf32>, vector<1x128xf32>, vector<1x128xf32>, vector<1x128xf32>, vector<1x128xf32>, vector<1x128xf32>, vector<1x128xf32>, vector<1x128xf32>, vector<1x128xf32>, vector<1x128xf32>, vector<1x128xf32>, vector<1x128xf32>, vector<1x128xf32>, vector<1x128xf32>, vector<1x128xf32>, vector<1x128xf32>, vector<1x128xf32>, vector<1x128xf32>, vector<1x128xf32>, vector<1x128xf32>, vector<1x128xf32>, vector<1x128xf32>, vector<1x128xf32>, vector<1x128xf32>, vector<1x128xf32>, vector<1x128xf32>, vector<1x128xf32>, vector<1x128xf32> -> vector<32x128xf32>
    %mul3A_1225 = arith.constant 32 : i32
    %mul3A_1226 = arith.muli %arg0, %mul3A_1225 : i32
    %swap3A = arith.index_cast %mul3A_1226 : i32 to index
    %swap3A_1227 = arith.constant 0 : index
    %swap3A_1228 = vector.load %arg22[%swap3A, %swap3A_1227] : memref<128x128xf32, #tpu.memory_space<vmem>>, vector<32x128xf32>
    tpu.vector_store %arg22[%swap3A, %swap3A_1227], %concatenate3A {strides = array<i32>} : memref<128x128xf32, #tpu.memory_space<vmem>>, vector<32x128xf32>,
    %concatenate3A_1229 = tpu.concatenate %broadcast_in_dim3A_46, %broadcast_in_dim3A_84, %broadcast_in_dim3A_122, %broadcast_in_dim3A_160, %broadcast_in_dim3A_198, %broadcast_in_dim3A_236, %broadcast_in_dim3A_274, %broadcast_in_dim3A_312, %broadcast_in_dim3A_350, %broadcast_in_dim3A_388, %broadcast_in_dim3A_426, %broadcast_in_dim3A_464, %broadcast_in_dim3A_502, %broadcast_in_dim3A_540, %broadcast_in_dim3A_578, %broadcast_in_dim3A_616, %broadcast_in_dim3A_654, %broadcast_in_dim3A_692, %broadcast_in_dim3A_730, %broadcast_in_dim3A_768, %broadcast_in_dim3A_806, %broadcast_in_dim3A_844, %broadcast_in_dim3A_882, %broadcast_in_dim3A_920, %broadcast_in_dim3A_958, %broadcast_in_dim3A_996, %broadcast_in_dim3A_1034, %broadcast_in_dim3A_1072, %broadcast_in_dim3A_1110, %broadcast_in_dim3A_1148, %broadcast_in_dim3A_1186, %broadcast_in_dim3A_1224 in 0 : vector<1x128xf32>, vector<1x128xf32>, vector<1x128xf32>, vector<1x128xf32>, vector<1x128xf32>, vector<1x128xf32>, vector<1x128xf32>, vector<1x128xf32>, vector<1x128xf32>, vector<1x128xf32>, vector<1x128xf32>, vector<1x128xf32>, vector<1x128xf32>, vector<1x128xf32>, vector<1x128xf32>, vector<1x128xf32>, vector<1x128xf32>, vector<1x128xf32>, vector<1x128xf32>, vector<1x128xf32>, vector<1x128xf32>, vector<1x128xf32>, vector<1x128xf32>, vector<1x128xf32>, vector<1x128xf32>, vector<1x128xf32>, vector<1x128xf32>, vector<1x128xf32>, vector<1x128xf32>, vector<1x128xf32>, vector<1x128xf32>, vector<1x128xf32> -> vector<32x128xf32>
    %mul3A_1230 = arith.constant 32 : i32
    %mul3A_1231 = arith.muli %arg0, %mul3A_1230 : i32
    %swap3A_1232 = arith.index_cast %mul3A_1231 : i32 to index
    %swap3A_1233 = arith.constant 0 : index
    %swap3A_1234 = vector.load %arg23[%swap3A_1232, %swap3A_1233] : memref<128x128xf32, #tpu.memory_space<vmem>>, vector<32x128xf32>
    tpu.vector_store %arg23[%swap3A_1232, %swap3A_1233], %concatenate3A_1229 {strides = array<i32>} : memref<128x128xf32, #tpu.memory_space<vmem>>, vector<32x128xf32>,
    %eq3A_1235 = arith.constant 3 : i32
    %eq3A_1236 = arith.cmpi eq, %arg0, %eq3A_1235 : i32
    %convert_element_type3A_1237 = arith.extui %eq3A_1236 : i1 to i32
    %cond3A_1238 = arith.constant 0 : i32
    %cond3A_1239 = arith.cmpi ne, %convert_element_type3A_1237, %cond3A_1238 : i32
    scf.if %cond3A_1239 {
      %get3A_1240 = arith.constant 0 : index
      %get3A_1241 = arith.constant 0 : index
      %get3A_1242 = vector.load %arg12[%get3A_1240, %get3A_1241] : memref<1x37xf32, #tpu.memory_space<vmem>>, vector<1x37xf32>
      %reduce_max3A = arith.constant dense<0xFF800000> : vector<1xf32>
      %reduce_max3A_1243 = vector.multi_reduction <maximumf>, %get3A_1242, %reduce_max3A [1] : vector<1x37xf32> to vector<1xf32>
      %broadcast_in_dim3A_1244 = vector.shape_cast %reduce_max3A_1243 : vector<1xf32> to vector<1x1xf32>
      %sub3A_1245 = vector.broadcast %broadcast_in_dim3A_1244 : vector<1x1xf32> to vector<1x37xf32>
      %sub3A_1246 = arith.subf %get3A_1242, %sub3A_1245 : vector<1x37xf32>
      %exp3A = math.exp %sub3A_1246 : vector<1x37xf32>
      %reduce_sum3A_1247 = arith.constant dense<0.000000e+00> : vector<1xf32>
      %reduce_sum3A_1248 = vector.multi_reduction <add>, %exp3A, %reduce_sum3A_1247 [1] : vector<1x37xf32> to vector<1xf32>
      %broadcast_in_dim3A_1249 = vector.shape_cast %reduce_sum3A_1248 : vector<1xf32> to vector<1x1xf32>
      %div3A = vector.broadcast %broadcast_in_dim3A_1249 : vector<1x1xf32> to vector<1x37xf32>
      %div3A_1250 = arith.divf %exp3A, %div3A : vector<1x37xf32>
      %iota3A_1251 = tpu.iota {dimensions = array<i32: 1>} : vector<128x37xi32>
      %get3A_1252 = arith.constant 0 : index
      %get3A_1253 = arith.constant 0 : index
      %get3A_1254 = vector.load %arg13[%get3A_1252, %get3A_1253] : memref<128x2xi32, #tpu.memory_space<vmem>>, vector<128x1xi32>
      %lt3A_1255 = vector.broadcast %get3A_1254 : vector<128x1xi32> to vector<128x37xi32>
      %lt3A_1256 = arith.cmpi slt, %iota3A_1251, %lt3A_1255 : vector<128x37xi32>
      %jit3A_1257 = arith.constant 0.000000e+00 : f32
      %broadcast_in_dim3A_1258 = vector.shape_cast %div3A_1250 : vector<1x37xf32> to vector<1x37xf32>
      %broadcast_in_dim3A_1259 = vector.broadcast %broadcast_in_dim3A_1258 : vector<1x37xf32> to vector<128x37xf32>
      %broadcast_in_dim3A_1260 = vector.broadcast %jit3A_1257 : f32 to vector<128x37xf32>
      %select_n3A_1261 = arith.select %lt3A_1256, %broadcast_in_dim3A_1259, %broadcast_in_dim3A_1260 : vector<128x37xi1>, vector<128x37xf32>
      %reduce_sum3A_1262 = arith.constant dense<0.000000e+00> : vector<128xf32>
      %reduce_sum3A_1263 = vector.multi_reduction <add>, %select_n3A_1261, %reduce_sum3A_1262 [1] : vector<128x37xf32> to vector<128xf32>
      %broadcast_in_dim3A_1264 = vector.shape_cast %reduce_sum3A_1263 : vector<128xf32> to vector<128x1xf32>
      %ge3A = vector.broadcast %get3A_1254 : vector<128x1xi32> to vector<128x37xi32>
      %ge3A_1265 = arith.cmpi sge, %iota3A_1251, %ge3A : vector<128x37xi32>
      %jit3A_1266 = arith.constant 0.000000e+00 : f32
      %broadcast_in_dim3A_1267 = vector.shape_cast %div3A_1250 : vector<1x37xf32> to vector<1x37xf32>
      %broadcast_in_dim3A_1268 = vector.broadcast %broadcast_in_dim3A_1267 : vector<1x37xf32> to vector<128x37xf32>
      %broadcast_in_dim3A_1269 = vector.broadcast %jit3A_1266 : f32 to vector<128x37xf32>
      %select_n3A_1270 = arith.select %ge3A_1265, %broadcast_in_dim3A_1268, %broadcast_in_dim3A_1269 : vector<128x37xi1>, vector<128x37xf32>
      %reduce_sum3A_1271 = arith.constant dense<0.000000e+00> : vector<128xf32>
      %reduce_sum3A_1272 = vector.multi_reduction <add>, %select_n3A_1270, %reduce_sum3A_1271 [1] : vector<128x37xf32> to vector<128xf32>
      %broadcast_in_dim3A_1273 = vector.shape_cast %reduce_sum3A_1272 : vector<128xf32> to vector<128x1xf32>
      %broadcast_in_dim3A_1274 = vector.shape_cast %broadcast_in_dim3A_1264 : vector<128x1xf32> to vector<128x1xf32>
      %broadcast_in_dim3A_1275 = vector.broadcast %broadcast_in_dim3A_1274 : vector<128x1xf32> to vector<128x64xf32>
      %broadcast_in_dim3A_1276 = vector.shape_cast %broadcast_in_dim3A_1273 : vector<128x1xf32> to vector<128x1xf32>
      %broadcast_in_dim3A_1277 = vector.broadcast %broadcast_in_dim3A_1276 : vector<128x1xf32> to vector<128x64xf32>
      %get3A_1278 = arith.constant 0 : index
      %get3A_1279 = arith.constant 1 : index
      %get3A_1280 = vector.load %arg13[%get3A_1278, %get3A_1279] : memref<128x2xi32, #tpu.memory_space<vmem>>, vector<128x1xi32>
      %lt3A_1281 = vector.broadcast %get3A_1280 : vector<128x1xi32> to vector<128x37xi32>
      %lt3A_1282 = arith.cmpi slt, %iota3A_1251, %lt3A_1281 : vector<128x37xi32>
      %jit3A_1283 = arith.constant 0.000000e+00 : f32
      %broadcast_in_dim3A_1284 = vector.shape_cast %div3A_1250 : vector<1x37xf32> to vector<1x37xf32>
      %broadcast_in_dim3A_1285 = vector.broadcast %broadcast_in_dim3A_1284 : vector<1x37xf32> to vector<128x37xf32>
      %broadcast_in_dim3A_1286 = vector.broadcast %jit3A_1283 : f32 to vector<128x37xf32>
      %select_n3A_1287 = arith.select %lt3A_1282, %broadcast_in_dim3A_1285, %broadcast_in_dim3A_1286 : vector<128x37xi1>, vector<128x37xf32>
      %reduce_sum3A_1288 = arith.constant dense<0.000000e+00> : vector<128xf32>
      %reduce_sum3A_1289 = vector.multi_reduction <add>, %select_n3A_1287, %reduce_sum3A_1288 [1] : vector<128x37xf32> to vector<128xf32>
      %broadcast_in_dim3A_1290 = vector.shape_cast %reduce_sum3A_1289 : vector<128xf32> to vector<128x1xf32>
      %ge3A_1291 = vector.broadcast %get3A_1280 : vector<128x1xi32> to vector<128x37xi32>
      %ge3A_1292 = arith.cmpi sge, %iota3A_1251, %ge3A_1291 : vector<128x37xi32>
      %jit3A_1293 = arith.constant 0.000000e+00 : f32
      %broadcast_in_dim3A_1294 = vector.shape_cast %div3A_1250 : vector<1x37xf32> to vector<1x37xf32>
      %broadcast_in_dim3A_1295 = vector.broadcast %broadcast_in_dim3A_1294 : vector<1x37xf32> to vector<128x37xf32>
      %broadcast_in_dim3A_1296 = vector.broadcast %jit3A_1293 : f32 to vector<128x37xf32>
      %select_n3A_1297 = arith.select %ge3A_1292, %broadcast_in_dim3A_1295, %broadcast_in_dim3A_1296 : vector<128x37xi1>, vector<128x37xf32>
      %reduce_sum3A_1298 = arith.constant dense<0.000000e+00> : vector<128xf32>
      %reduce_sum3A_1299 = vector.multi_reduction <add>, %select_n3A_1297, %reduce_sum3A_1298 [1] : vector<128x37xf32> to vector<128xf32>
      %broadcast_in_dim3A_1300 = vector.shape_cast %reduce_sum3A_1299 : vector<128xf32> to vector<128x1xf32>
      %broadcast_in_dim3A_1301 = vector.shape_cast %broadcast_in_dim3A_1290 : vector<128x1xf32> to vector<128x1xf32>
      %broadcast_in_dim3A_1302 = vector.broadcast %broadcast_in_dim3A_1301 : vector<128x1xf32> to vector<128x64xf32>
      %broadcast_in_dim3A_1303 = vector.shape_cast %broadcast_in_dim3A_1300 : vector<128x1xf32> to vector<128x1xf32>
      %broadcast_in_dim3A_1304 = vector.broadcast %broadcast_in_dim3A_1303 : vector<128x1xf32> to vector<128x64xf32>
      %concatenate3A_1305 = tpu.concatenate %broadcast_in_dim3A_1275, %broadcast_in_dim3A_1302 in 1 : vector<128x64xf32>, vector<128x64xf32> -> vector<128x128xf32>
      %concatenate3A_1306 = tpu.concatenate %broadcast_in_dim3A_1277, %broadcast_in_dim3A_1304 in 1 : vector<128x64xf32>, vector<128x64xf32> -> vector<128x128xf32>
      %get3A_1307 = arith.constant 0 : index
      %get3A_1308 = arith.constant 0 : index
      %get3A_1309 = vector.load %arg22[%get3A_1307, %get3A_1308] : memref<128x128xf32, #tpu.memory_space<vmem>>, vector<128x128xf32>
      %mul3A_1310 = arith.mulf %concatenate3A_1305, %get3A_1309 : vector<128x128xf32>
      %get3A_1311 = arith.constant 0 : index
      %get3A_1312 = arith.constant 0 : index
      %get3A_1313 = vector.load %arg23[%get3A_1311, %get3A_1312] : memref<128x128xf32, #tpu.memory_space<vmem>>, vector<128x128xf32>
      %mul3A_1314 = arith.mulf %concatenate3A_1306, %get3A_1313 : vector<128x128xf32>
      %add3A_1315 = arith.addf %mul3A_1310, %mul3A_1314 : vector<128x128xf32>
      %mul3A_1316 = arith.constant 2.000000e-02 : f32
      %mul3A_1317 = vector.broadcast %mul3A_1316 : f32 to vector<128x128xf32>
      %mul3A_1318 = arith.mulf %add3A_1315, %mul3A_1317 : vector<128x128xf32>
      %get3A_1319 = arith.constant 0 : index
      %get3A_1320 = arith.constant 0 : index
      %get3A_1321 = vector.load %arg15[%get3A_1319, %get3A_1320] : memref<1x128xf32, #tpu.memory_space<vmem>>, vector<1x128xf32>
      %get3A_1322 = arith.constant 0 : index
      %get3A_1323 = arith.constant 0 : index
      %get3A_1324 = vector.load %arg17[%get3A_1322, %get3A_1323] : memref<1x1xf32, #tpu.memory_space<vmem>>, vector<1x1xf32>
      %get3A_1325 = arith.constant 0 : index
      %get3A_1326 = arith.constant 0 : index
      %get3A_1327 = vector.load %arg14[%get3A_1325, %get3A_1326] : memref<64x128xf32, #tpu.memory_space<vmem>>, vector<64x128xf32>
      %broadcast_in_dim3A_1328 = arith.constant 0.000000e+00 : f32
      %broadcast_in_dim3A_1329 = vector.broadcast %broadcast_in_dim3A_1328 : f32 to vector<64x128xf32>
      %concatenate3A_1330 = tpu.concatenate %get3A_1327, %broadcast_in_dim3A_1329 in 1 : vector<64x128xf32>, vector<64x128xf32> -> vector<64x256xf32>
      %concatenate3A_1331 = tpu.concatenate %broadcast_in_dim3A_1329, %get3A_1327 in 1 : vector<64x128xf32>, vector<64x128xf32> -> vector<64x256xf32>
      %concatenate3A_1332 = tpu.concatenate %concatenate3A_1330, %concatenate3A_1331 in 0 : vector<64x256xf32>, vector<64x256xf32> -> vector<128x256xf32>
      %dot_general3A_1333 = arith.constant dense<0.000000e+00> : vector<128x256xf32>
      %dot_general3A_1334 = tpu.matmul %mul3A_1318, %concatenate3A_1332, %dot_general3A_1333 {dimension_numbers = #tpu.dot_dimension_numbers<[1], [0], [0], [1], [0, 0, 1, 1], [], []>, transpose_lhs_hint = false} : vector<128x128xf32>, vector<128x256xf32>, vector<128x256xf32> -> vector<128x256xf32>
      %concatenate3A_1335 = tpu.concatenate %get3A_1321, %get3A_1321 in 1 : vector<1x128xf32>, vector<1x128xf32> -> vector<1x256xf32>
      %add3A_1336 = vector.broadcast %concatenate3A_1335 : vector<1x256xf32> to vector<128x256xf32>
      %add3A_1337 = arith.addf %dot_general3A_1334, %add3A_1336 : vector<128x256xf32>
      %max3A = arith.constant 0.000000e+00 : f32
      %max3A_1338 = vector.broadcast %max3A : f32 to vector<128x256xf32>
      %max3A_1339 = arith.maximumf %add3A_1337, %max3A_1338 : vector<128x256xf32>
      %get3A_1340 = arith.constant 0 : index
      %get3A_1341 = arith.constant 0 : index
      %get3A_1342 = vector.load %arg16[%get3A_1340, %get3A_1341] : memref<128x1xf32, #tpu.memory_space<vmem>>, vector<128x1xf32>
      %broadcast_in_dim3A_1343 = arith.constant 0.000000e+00 : f32
      %broadcast_in_dim3A_1344 = vector.broadcast %broadcast_in_dim3A_1343 : f32 to vector<128x1xf32>
      %concatenate3A_1345 = tpu.concatenate %get3A_1342, %broadcast_in_dim3A_1344 in 1 : vector<128x1xf32>, vector<128x1xf32> -> vector<128x2xf32>
      %concatenate3A_1346 = tpu.concatenate %broadcast_in_dim3A_1344, %get3A_1342 in 1 : vector<128x1xf32>, vector<128x1xf32> -> vector<128x2xf32>
      %concatenate3A_1347 = tpu.concatenate %concatenate3A_1345, %concatenate3A_1346 in 0 : vector<128x2xf32>, vector<128x2xf32> -> vector<256x2xf32>
      %dot_general3A_1348 = arith.constant dense<0.000000e+00> : vector<128x2xf32>
      %dot_general3A_1349 = tpu.matmul %max3A_1339, %concatenate3A_1347, %dot_general3A_1348 {dimension_numbers = #tpu.dot_dimension_numbers<[1], [0], [0], [1], [0, 0, 1, 1], [], []>, transpose_lhs_hint = false} : vector<128x256xf32>, vector<256x2xf32>, vector<128x2xf32> -> vector<128x2xf32>
      %concatenate3A_1350 = tpu.concatenate %get3A_1324, %get3A_1324 in 1 : vector<1x1xf32>, vector<1x1xf32> -> vector<1x2xf32>
      %add3A_1351 = vector.broadcast %concatenate3A_1350 : vector<1x2xf32> to vector<128x2xf32>
      %add3A_1352 = arith.addf %dot_general3A_1349, %add3A_1351 : vector<128x2xf32>
      %swap3A_1353 = arith.constant 0 : index
      %swap3A_1354 = arith.constant 0 : index
      %swap3A_1355 = vector.load %arg18[%swap3A_1353, %swap3A_1354] : memref<128x2xf32, #tpu.memory_space<vmem>>, vector<128x2xf32>
      tpu.vector_store %arg18[%swap3A_1353, %swap3A_1354], %add3A_1352 {strides = array<i32>} : memref<128x2xf32, #tpu.memory_space<vmem>>, vector<128x2xf32>,
    } else {
    }
    return
  }
  func.func @transform_0(%arg0: i32) -> (i32, i32) {
    %c0_i32 = arith.constant 0 : i32
    %c0_i32_0 = arith.constant 0 : i32
    return %c0_i32, %arg0 : i32, i32
  }
  func.func @transform_1(%arg0: i32) -> (i32, i32) {
    %c0_i32 = arith.constant 0 : i32
    %c0_i32_0 = arith.constant 0 : i32
    %c0_i32_1 = arith.constant 0 : i32
    return %c0_i32, %c0_i32_0 : i32, i32
  }
  func.func @transform_2(%arg0: i32) -> (i32, i32) {
    %c0_i32 = arith.constant 0 : i32
    %c0_i32_0 = arith.constant 0 : i32
    %c0_i32_1 = arith.constant 0 : i32
    return %c0_i32, %c0_i32_0 : i32, i32
  }
  func.func @transform_3(%arg0: i32) -> (i32, i32) {
    %c0_i32 = arith.constant 0 : i32
    %c0_i32_0 = arith.constant 0 : i32
    %c0_i32_1 = arith.constant 0 : i32
    return %c0_i32, %c0_i32_0 : i32, i32
  }
  func.func @transform_4(%arg0: i32) -> (i32, i32) {
    %c0_i32 = arith.constant 0 : i32
    %c0_i32_0 = arith.constant 0 : i32
    %c0_i32_1 = arith.constant 0 : i32
    return %c0_i32, %c0_i32_0 : i32, i32
  }
  func.func @transform_5(%arg0: i32) -> (i32, i32) {
    %c0_i32 = arith.constant 0 : i32
    %c0_i32_0 = arith.constant 0 : i32
    %c0_i32_1 = arith.constant 0 : i32
    return %c0_i32, %c0_i32_0 : i32, i32
  }
  func.func @transform_6(%arg0: i32) -> (i32, i32) {
    %c0_i32 = arith.constant 0 : i32
    %c0_i32_0 = arith.constant 0 : i32
    %c0_i32_1 = arith.constant 0 : i32
    return %c0_i32, %c0_i32_0 : i32, i32
  }
  func.func @transform_7(%arg0: i32) -> (i32, i32) {
    %c0_i32 = arith.constant 0 : i32
    %c0_i32_0 = arith.constant 0 : i32
    %c0_i32_1 = arith.constant 0 : i32
    return %c0_i32, %c0_i32_0 : i32, i32
  }
  func.func @transform_8(%arg0: i32) -> (i32, i32) {
    %c0_i32 = arith.constant 0 : i32
    %c0_i32_0 = arith.constant 0 : i32
    %c0_i32_1 = arith.constant 0 : i32
    return %c0_i32, %c0_i32_0 : i32, i32
  }
  func.func @transform_9(%arg0: i32) -> (i32, i32) {
    %c0_i32 = arith.constant 0 : i32
    %c0_i32_0 = arith.constant 0 : i32
    %c0_i32_1 = arith.constant 0 : i32
    return %c0_i32, %c0_i32_0 : i32, i32
  }
  func.func @transform_10(%arg0: i32) -> (i32, i32) {
    %c0_i32 = arith.constant 0 : i32
    %c0_i32_0 = arith.constant 0 : i32
    %c0_i32_1 = arith.constant 0 : i32
    return %c0_i32, %c0_i32_0 : i32, i32
  }
  func.func @transform_11(%arg0: i32) -> (i32, i32) {
    %c0_i32 = arith.constant 0 : i32
    %c0_i32_0 = arith.constant 0 : i32
    %c0_i32_1 = arith.constant 0 : i32
    return %c0_i32, %c0_i32_0 : i32, i32
  }
  func.func @transform_12(%arg0: i32) -> (i32, i32) {
    %c0_i32 = arith.constant 0 : i32
    %c0_i32_0 = arith.constant 0 : i32
    %c0_i32_1 = arith.constant 0 : i32
    return %c0_i32, %c0_i32_0 : i32, i32
  }
  func.func @transform_13(%arg0: i32) -> (i32, i32) {
    %c0_i32 = arith.constant 0 : i32
    %c0_i32_0 = arith.constant 0 : i32
    %c0_i32_1 = arith.constant 0 : i32
    return %c0_i32, %c0_i32_0 : i32, i32
  }
  func.func @transform_14(%arg0: i32) -> (i32, i32) {
    %c0_i32 = arith.constant 0 : i32
    %c0_i32_0 = arith.constant 0 : i32
    %c0_i32_1 = arith.constant 0 : i32
    return %c0_i32, %c0_i32_0 : i32, i32
  }
  func.func @transform_15(%arg0: i32) -> (i32, i32) {
    %c0_i32 = arith.constant 0 : i32
    %c0_i32_0 = arith.constant 0 : i32
    %c0_i32_1 = arith.constant 0 : i32
    return %c0_i32, %c0_i32_0 : i32, i32
  }
  func.func @transform_16(%arg0: i32) -> (i32, i32) {
    %c0_i32 = arith.constant 0 : i32
    %c0_i32_0 = arith.constant 0 : i32
    %c0_i32_1 = arith.constant 0 : i32
    return %c0_i32, %c0_i32_0 : i32, i32
  }
  func.func @transform_17(%arg0: i32) -> (i32, i32) {
    %c0_i32 = arith.constant 0 : i32
    %c0_i32_0 = arith.constant 0 : i32
    %c0_i32_1 = arith.constant 0 : i32
    return %c0_i32, %c0_i32_0 : i32, i32
  }
}

</mosaic_0001>

<sc_bundles>
// kernel: kernel.4.cloned.1.call-start
scs
__scs_entry_jumppad:
0x0: {  	(pc) =	sbr.rel $0x88, $3  }
0x1: {  	(tag) =	ssettag $0x0;
	lr =	simm.s32 $0x1  }
0x2: {  	[smem:$0x3F90] =	sst lr;
	_ =	strace $0xD0000000  }
0x3: {  	_ = 	snop  }
0x4: {  	_ = 	snop  }
0x5: {  	_ = 	snop  }
0x6: {  	_ = 	snop  }
0x7: {  	_ = 	snop  }
__scs_overlays_trampoline_lowered:
0x8: {  	[smem:$0x3F9F] =	sst s0  }
0x9: {  	[smem:$0x3FA0] =	sst s1  }
0xa: {  	[smem:$0x3FA1] =	sst s2  }
0xb: {  	[smem:$0x3FA2] =	sst s3  }
0xc: {  	[smem:$0x3FA3] =	sst s4  }
0xd: {  	[smem:$0x3FA4] =	sst s5  }
0xe: {  	[smem:$0x3FA5] =	sst s6  }
0xf: {  	[smem:$0x3FA6] =	sst s7  }
0x10: {  	[smem:$0x3FA7] =	sst s8  }
0x11: {  	[smem:$0x3FA8] =	sst s9;
	s0 =	simm.s32 @!p0 $0x0  }
0x12: {  	s1 =	sld [smem:$0x3F8E];
	s0 =	simm.s32 @p0 $0x1  }
0x13: {  	[smem:$0x3FA9] =	sst s0;
	s0 =	simm.s32 @!p1 $0x0  }
0x14: {  	s2 =	sld [smem:$0x3F8D];
	s0 =	simm.s32 @p1 $0x1  }
0x15: {  	[smem:$0x3FAA] =	sst s0;
	s0 =	simm.s32 @!p2 $0x0  }
0x16: {  	s3 =	sld [smem:$0x3FDB];
	s0 =	simm.s32 @p2 $0x1  }
0x17: {  	s4 =	simm.s32 $0x1BF5;
	[smem:$0x3FAC] =	sst s0  }
0x18: {  	s0 =	sld [smem:$0x3F8F];
	_ =	swait.ge [sflag:s4], $0x0  }
0x19: {  	s7 =	sld [smem:$0x3F90]  }
0x1a: {  	s8 =	sadd.s32 $0xFFFFE003, lr  }
0x1b: {  	s9 =	sadd.s32 $0xFFFFFEF7, lr;
	s5 =	simm.s32 $0xFFFFFFFF;
	p2 =	slt.u32 s8, $0xFFFFF086  }
0x1c: {  	p1 =	slt.u32 s9, $0xF7A;
	s5 =	simm.s32 @!p2 $0x0  }
0x1d: {  	s5 =	simm.s32 @p1 $0x1;
	p0 =	seq.s32 s7, s2  }
0x1e: {  	s7 =	smul.u32 @!p0 $0xF7A, s2;
	p2 =	seq.s32 @!p0 s5, $0x0  }
0x1f: {  	s9 =	smul.u32 $0xF7A, s1;
	s8 =	simm.s32 @!p0 $0x1BF5;
	p2 =	por !p2, p0  }
0x20: {  	[sflag:s8] =	ssyncset.s32 @!p0 $0xFFFFF086;
	s6 =	sadd.s32 @!p0 s3, s7;
	s7 =	simm.s32 @!p0 $0x108  }
0x21: {  	s3 =	sadd.s32 s3, s9;
	s6 =	sadd.s32 @!p0 $0x88, s6;
	s7 =	simm.s32 @p2 $0x1082  }
0x22: {  	[simem:s7], [sflag:s8] =	dma.local @!p0 [hbm:s6], $0xF7A  }
0x23: {  	s9 =	sor.u32 $0xD0000000, s2;
	s6 =	simm.s32 $0x108;
	_ =	swait.ge @!p0 [sflag:s8], $0x0  }
0x24: {  	s3 =	sadd.s32 $0x88, s3;
	s6 =	simm.s32 @!p1 $0x1082;
	[sflag:s4] =	ssyncset.s32 $0xFFFFF086  }
0x25: {  	[simem:s6], [sflag:s4] =	dma.local [hbm:s3], $0xF7A  }
0x26: {  	[smem:$0x3F90] =	sst s1;
	(tag) =	ssettag s2;
	_ =	strace s9  }
0x27: {  	s1 =	sld [smem:$0x3FA0]  }
0x28: {  	s2 =	sld [smem:$0x3FA1]  }
0x29: {  	s4 =	sld [smem:$0x3FA3]  }
0x2a: {  	p0 =	seq.s32 s5, $0x0;
	s5 =	sld [smem:$0x3FA4]  }
0x2b: {  	s6 =	sld [smem:$0x3FA5]  }
0x2c: {  	s7 =	sld [smem:$0x3FA6]  }
0x2d: {  	s3 =	simm.s32 $0x108;
	s8 =	sld [smem:$0x3FA7]  }
0x2e: {  	s3 =	simm.s32 @!p0 $0x1082;
	s9 =	sld [smem:$0x3FA8]  }
0x2f: {  	lr =	sadd.s32 s0, s3;
	s0 =	sld [smem:$0x3F9F]  }
0x30: {  	s3 =	sld [smem:$0x3FA2]  }
0x31: {  	[smem:$0x3FAB] =	sst s10  }
0x32: {  	s10 =	sld [smem:$0x3FA9];
	_ =	sdelay $0x3  }
0x33: {  	p0 =	seq.s32 s10, $0x1;
	s10 =	sld [smem:$0x3FAB];
	_ =	sdelay $0x3  }
0x34: {  	[smem:$0x3FAB] =	sst s10  }
0x35: {  	s10 =	sld [smem:$0x3FAA];
	_ =	sdelay $0x3  }
0x36: {  	p1 =	seq.s32 s10, $0x1;
	s10 =	sld [smem:$0x3FAB];
	_ =	sdelay $0x3  }
0x37: {  	[smem:$0x3FAB] =	sst s10  }
0x38: {  	s10 =	sld [smem:$0x3FAC]  }
0x39: {  	_ = 	snop;
	(pc) =	sbr.ind lr, $3  }
0x3a: {  	_ = 	snop  }
0x3b: {  	_ = 	snop  }
0x3c: {  	p2 =	seq.s32 s10, $0x1;
	s10 =	sld [smem:$0x3FAB]  }
0x3d: {  	_ =	shalt  }
0x3e: {  	_ =	shalt  }
0x3f: {  	_ =	shalt  }
0x40: {  	_ =	shalt  }
0x41: {  	_ =	shalt  }
0x42: {  	_ =	shalt  }
0x43: {  	_ =	shalt  }
0x44: {  	_ =	shalt  }
0x45: {  	_ =	shalt  }
0x46: {  	_ =	shalt  }
0x47: {  	_ =	shalt  }
0x48: {  	_ =	shalt  }
0x49: {  	_ =	shalt  }
0x4a: {  	_ =	shalt  }
0x4b: {  	_ =	shalt  }
0x4c: {  	_ =	shalt  }
0x4d: {  	_ =	shalt  }
0x4e: {  	_ =	shalt  }
0x4f: {  	_ =	shalt  }
0x50: {  	_ =	shalt  }
0x51: {  	_ =	shalt  }
0x52: {  	_ =	shalt  }
0x53: {  	_ =	shalt  }
0x54: {  	_ =	shalt  }
0x55: {  	_ =	shalt  }
0x56: {  	_ =	shalt  }
0x57: {  	_ =	shalt  }
0x58: {  	_ =	shalt  }
0x59: {  	_ =	shalt  }
0x5a: {  	_ =	shalt  }
0x5b: {  	_ =	shalt  }
0x5c: {  	_ =	shalt  }
0x5d: {  	_ =	shalt  }
0x5e: {  	_ =	shalt  }
0x5f: {  	_ =	shalt  }
0x60: {  	_ =	shalt  }
0x61: {  	_ =	shalt  }
0x62: {  	_ =	shalt  }
0x63: {  	_ =	shalt  }
0x64: {  	_ =	shalt  }
0x65: {  	_ =	shalt  }
0x66: {  	_ =	shalt  }
0x67: {  	_ =	shalt  }
0x68: {  	_ =	shalt  }
0x69: {  	_ =	shalt  }
0x6a: {  	_ =	shalt  }
0x6b: {  	_ =	shalt  }
0x6c: {  	_ =	shalt  }
0x6d: {  	_ =	shalt  }
0x6e: {  	_ =	shalt  }
0x6f: {  	_ =	shalt  }
0x70: {  	_ =	shalt  }
0x71: {  	_ =	shalt  }
0x72: {  	_ =	shalt  }
0x73: {  	_ =	shalt  }
0x74: {  	_ =	shalt  }
0x75: {  	_ =	shalt  }
0x76: {  	_ =	shalt  }
0x77: {  	_ =	shalt  }
0x78: {  	_ =	shalt  }
0x79: {  	_ =	shalt  }
0x7a: {  	_ =	shalt  }
0x7b: {  	_ =	shalt  }
0x7c: {  	_ =	shalt  }
0x7d: {  	_ =	shalt  }
0x7e: {  	_ =	shalt  }
0x7f: {  	_ =	shalt  }
0x80: {  	_ =	shalt  }
0x81: {  	_ =	shalt  }
0x82: {  	_ =	shalt  }
0x83: {  	_ =	shalt  }
0x84: {  	_ =	shalt  }
0x85: {  	_ =	shalt  }
0x86: {  	_ =	shalt  }
0x87: {  	_ =	shalt  }
.Lfunc_end0:
.L_simem_size_0:
called_computation_lowered:
.L_overlay_start_0:
0x88: {  	s2 =	sld [smem:$0x3FD9]  }
0x89: {  	s3 =	sld [smem:$0x3FFE];
	_ =	sdelay $0x1  }
0x8a: {  	s1 =	srdreg.scid  }
0x8b: {  	s0 =	sand.u32 $0x1, s1  }
0x8c: {  	s16 =	sshll.u32 s0, $0xA;
	s2 =	sadd.s32 s3, s2  }
0x8d: {  	s2 =	sadd.s32 s2, s16  }
0x8e: {  	[smem:$0x3FB7] =	sst s2  }
0x8f: {  	_ = 	snop  }
0x90: {  	(tm) =	ssettm $0x1  }
0x91: {  	s17 =	sld [smem:$0x3FFB];
	_ =	sdelay $0x3  }
0x92: {  	_ =	strace s17  }
0x93: {  	s2 =	sld [smem:$0x3FFC];
	_ =	sdelay $0x3  }
0x94: {  	_ =	strace s2  }
0x95: {  	s2 =	sld [smem:$0x3FFD];
	_ =	sdelay $0x3  }
0x96: {  	_ =	strace s2  }
0x97: {  	_ =	strace $0x8FFFFFFF  }
0x98: {  	s18 =	sld [smem:$0x3FDB];
	_ =	sdelay $0x1  }
0x99: {  	s19 =	simm.s32 $_scs_section_size  }
0x9a: {  	s4 =	simm.s32 $_size__tile_overlayer_lowered;
	s5 =	simm.s32 $_tile_overlayer_lowered  }
0x9b: {  	s22 =	simm.s32 $0x1BFF;
	s21 =	sshll.u32 s5, $0x1;
	s2 =	sadd.s32 s19, s18  }
0x9c: {  	s6 =	simm.s32 $0x0;
	s20 =	sshll.u32 s4, $0x1;
	s4 =	sadd.s32 s21, s2  }
0x9d: {  	[timem:s6], [sflag:s22] =	dma.local [hbm:s4], s20  }
0x9e: {  	_ =	swait.ge [sflag:s22], s20  }
0x9f: {  	s3 =	ssub.s32 $0x0, s20;
	[sflag:s22] =	ssyncset.done $0x0  }
0xa0: {  	[sflag:s22] =	ssyncadd.s32 s3;
	_ =	sdelay $0x1  }
0xa1: {  	s23 =	simm.s32 $0x1B8B  }
0xa2: {  	_ =	swait.ge [sflag:s23], $0x1  }
0xa3: {  	[sflag:s23] =	ssyncset.done $0x0  }
0xa4: {  	s25 =	simm.s32 $0x1B8E;
	s24 =	sld [smem:$0x3FFE];
	[sflag:s23] =	ssyncadd.s32 $0xFFFFFFFF  }
0xa5: {  	s26 =	simm.s32 $execute0_lowered;
	[smem:$0x3FD2] =	sst s25  }
0xa6: {  	s4 =	sshll.u32 s26, $0x1;
	_ =	strace $0x80000046;
	[dreg:$0x1] =	wrdreg $0xFFFFFFFF  }
0xa7: {  	s28 =	simm.s32 $_size_execute0_lowered;
	s2 =	sadd.s32 s2, s4;
	[dreg:$0x0] =	wrdreg $0x0  }
0xa8: {  	s4 =	sshll.u32 s28, $0x1;
	[dreg:$0x2] =	wrdreg s2  }
0xa9: {  	[dreg:$0x3] =	wrdreg s4  }
0xaa: {  	[dreg:$0x4] =	wrdreg $0xC0  }
0xab: {  	_ =	task [dreg:s6], $0x5FFFF  }
0xac: {  	[dreg:$0x1] =	wrdreg $0xFFFFFFFF  }
0xad: {  	[dreg:$0x0] =	wrdreg $0x60  }
0xae: {  	[dreg:$0x2] =	wrdreg s24  }
0xaf: {  	[dreg:$0x3] =	wrdreg $0x9  }
0xb0: {  	_ =	task.clear_ibuf [dreg:s6], $0x4FFFF;
	_ =	strace $0x90000046  }
0xb1: {  	s29 =	simm.s32 $0x9;
	_ =	strace $0x80000048  }
0xb2: {  	_ =	swait.ge [sflag:s29], $0x1  }
0xb3: {  	[sflag:s29] =	ssyncadd.s32 $0xFFFFFFFF  }
0xb4: {  	_ =	strace $0x90000048  }
0xb5: {  	_ =	sfence  }
0xb6: {  	s30 =	sld [smem:$0x0];
	_ =	sdelay $0x2  }
0xb7: {  	s31 =	sshll.u32 s1, $0xD;
	s1 =	sshrl.u32 s1, $0x2  }
0xb8: {  	s3 =	sand.u32 $0x4000, s31;
	s1 =	sadd.s32 s1, s30  }
0xb9: {  	s0 =	sor.u32 s3, s0;
	s1 =	sshll.u32 s1, $0x11  }
0xba: {  	s0 =	sor.u32 s1, s0  }
0xbb: {  	s0 =	sadd.s32 $0x8F2B, s0  }
0xbc: {  	[sflag:s0] =	ssyncadd.remote.s32 $0x1  }
0xbd: {  	_ =	sfence.sel $0xFFFF  }
0xbe: {  	[dreg:$0x0] =	wrdreg $0xFFFFFFFF;
	(pc) =	sbr.abs _section_cstart, $3  }
0xbf: {  	[dreg:$0x1] =	wrdreg $0xFFFFFFFF  }
0xc0: {  	_ =	task.clear_ibuf [dreg:s6], $0x2FFFF;
	_ =	strace $0x9FFFFFFF  }
0xc1: {  	(tm) =	ssettm $0x7FFFFFFF  }
tec
execute0_lowered:
.L_overlay_start_1:
0x0: {  	(tag) =	ssettag $0x1  }
0x1: {  	s1 =	srdreg.scid;
	s0 =	stileid.u32  }
0x2: {  	s28 =	sand.u32 $0x1, s1;
	s31 =	sshll.u32 s0, $0x1  }
0x3: {  	s29 =	sor.u32 s28, s31  }
0x4: {  	s26 =	rddreg [dreg:$0x0];
	s3 =	smul.u32 $0x64, s29  }
0x5: {  	s2 =	simm.s32 $0x0;
	s1 =	rddreg [dreg:$0x1]  }
0x6: {  	[smem:$0x7FF] =	sst s2;
	s3 =	sadd.s32 s3, s26  }
0x7: {  	_ =	strace $0x80000047;
	s4 =	sadd.s32 $0x2200, s3;
	s3 =	simm.s32 $0x2  }
0x8: {  	[tilespmem:s2], [sflag:$0x2] =	stream.linear.gather [hbm4b:s4+s2], $0x320, $0x38;
	[tilespmem:$0xCB20] =	vst v63  }
0x9: {  	_ =	swait.ge [sflag:s3], $0x320  }
0xa: {  	s6 =	simm.s32 $0x50;
	[sflag:s3] =	ssyncset.done $0x0  }
0xb: {  	s7 =	simm.s32 $0x320;
	s5 =	sadd.s32 $0x188C00, s26;
	[sflag:s3] =	ssyncadd.s32 $0xFFFFFCE0  }
0xc: {  	[tilespmem:s7], [sflag:$0x1] =	stream.indirect.gather [hbm4b:s5+s6], $0x40, s2, s6, $0xb8;
	[tilespmem:$0xCB20] =	vst v63  }
0xd: {  	s8 =	simm.s32 $0x1720  }
0xe: {  	[tilespmem:s8], [sflag:$0x1] =	stream.indirect.gather [hbm4b:s5+s6], $0x40, s6, s6, $0xb8;
	[tilespmem:$0xCB20] =	vst v63  }
0xf: {  	s9 =	simm.s32 $0xA0;
	s10 =	simm.s32 $0x2B20  }
0x10: {  	[tilespmem:s10], [sflag:$0x1] =	stream.indirect.gather [hbm4b:s5+s6], $0x40, s9, s6, $0xb8;
	[tilespmem:$0xCB20] =	vst v63  }
0x11: {  	s11 =	simm.s32 $0xF0;
	s12 =	simm.s32 $0x3F20  }
0x12: {  	[tilespmem:s12], [sflag:$0x1] =	stream.indirect.gather [hbm4b:s5+s6], $0x40, s11, s6, $0xb8;
	[tilespmem:$0xCB20] =	vst v63  }
0x13: {  	s13 =	simm.s32 $0x140;
	s14 =	simm.s32 $0x5320  }
0x14: {  	[tilespmem:s14], [sflag:$0x1] =	stream.indirect.gather [hbm4b:s5+s6], $0x40, s13, s6, $0xb8;
	[tilespmem:$0xCB20] =	vst v63  }
0x15: {  	s15 =	simm.s32 $0x190;
	s16 =	simm.s32 $0x6720  }
0x16: {  	[tilespmem:s16], [sflag:$0x1] =	stream.indirect.gather [hbm4b:s5+s6], $0x40, s15, s6, $0xb8;
	[tilespmem:$0xCB20] =	vst v63  }
0x17: {  	s17 =	simm.s32 $0x1E0;
	s18 =	simm.s32 $0x7B20  }
0x18: {  	[tilespmem:s18], [sflag:$0x1] =	stream.indirect.gather [hbm4b:s5+s6], $0x40, s17, s6, $0xb8;
	[tilespmem:$0xCB20] =	vst v63  }
0x19: {  	s19 =	simm.s32 $0x230;
	s20 =	simm.s32 $0x8F20  }
0x1a: {  	[tilespmem:s20], [sflag:$0x1] =	stream.indirect.gather [hbm4b:s5+s6], $0x40, s19, s6, $0xb8;
	[tilespmem:$0xCB20] =	vst v63  }
0x1b: {  	s21 =	simm.s32 $0x280;
	s22 =	simm.s32 $0xA320  }
0x1c: {  	[tilespmem:s22], [sflag:$0x1] =	stream.indirect.gather [hbm4b:s5+s6], $0x40, s21, s6, $0xb8;
	[tilespmem:$0xCB20] =	vst v63  }
0x1d: {  	s23 =	simm.s32 $0x2D0;
	s24 =	simm.s32 $0xB720;
	s25 =	simm.s32 $0x1  }
0x1e: {  	[tilespmem:s24], [sflag:$0x1] =	stream.indirect.gather [hbm4b:s5+s6], $0x40, s23, s6, $0xb8;
	[tilespmem:$0xCB20] =	vst v63  }
0x1f: {  	_ =	swait.ge [sflag:s25], $0x1400  }
0x20: {  	[sflag:s25] =	ssyncset.done $0x0  }
0x21: {  	[sflag:s25] =	ssyncadd.s32 $0xFFFFEC00  }
0x22: {  	_ =	swait.ge [sflag:s25], $0x1400  }
0x23: {  	[sflag:s25] =	ssyncset.done $0x0  }
0x24: {  	[sflag:s25] =	ssyncadd.s32 $0xFFFFEC00  }
0x25: {  	_ =	swait.ge [sflag:s25], $0x1400  }
0x26: {  	[sflag:s25] =	ssyncset.done $0x0  }
0x27: {  	[sflag:s25] =	ssyncadd.s32 $0xFFFFEC00  }
0x28: {  	_ =	swait.ge [sflag:s25], $0x1400  }
0x29: {  	[sflag:s25] =	ssyncset.done $0x0  }
0x2a: {  	[sflag:s25] =	ssyncadd.s32 $0xFFFFEC00  }
0x2b: {  	_ =	swait.ge [sflag:s25], $0x1400  }
0x2c: {  	[sflag:s25] =	ssyncset.done $0x0  }
0x2d: {  	[sflag:s25] =	ssyncadd.s32 $0xFFFFEC00  }
0x2e: {  	_ =	swait.ge [sflag:s25], $0x1400  }
0x2f: {  	[sflag:s25] =	ssyncset.done $0x0  }
0x30: {  	[sflag:s25] =	ssyncadd.s32 $0xFFFFEC00  }
0x31: {  	_ =	swait.ge [sflag:s25], $0x1400  }
0x32: {  	[sflag:s25] =	ssyncset.done $0x0  }
0x33: {  	[sflag:s25] =	ssyncadd.s32 $0xFFFFEC00  }
0x34: {  	_ =	swait.ge [sflag:s25], $0x1400  }
0x35: {  	[sflag:s25] =	ssyncset.done $0x0  }
0x36: {  	s28 =	ssub.s32 $0x2, s28;
	[sflag:s25] =	ssyncadd.s32 $0xFFFFEC00  }
0x37: {  	s30 =	sshrl.u32 s28, $0x1;
	_ =	swait.ge [sflag:s25], $0x1400  }
0x38: {  	s28 =	ssub.s32 s28, s30;
	[sflag:s25] =	ssyncset.done $0x0  }
0x39: {  	s29 =	smul.u32 $0x1900, s29;
	s28 =	smax.u32 s28, $0x1;
	[sflag:s25] =	ssyncadd.s32 $0xFFFFEC00  }
0x3a: {  	p0 =	sne.s32 s28, $0x1;
	_ =	swait.ge [sflag:s25], $0x1400  }
.Ltmp0:
0x3b: {  	s26 =	sadd.s32 s29, s26;
	[sflag:s25] =	ssyncset.done $0x0;
	(pc) =	sbr.rel @!p0 .LBB2_2-.Ltmp0, $4  }
0x3c: {  	s26 =	sadd.s32 $0x3000, s26;
	[sflag:s25] =	ssyncadd.s32 $0xFFFFEC00  }
0x3d: {  	[hbm4b:s26+s2] =	stream.linear.scatter [tilespmem:s7], [sflag:$0x2], $0xC800, $0x38;
	[tilespmem:$0xCB20] =	vst v63  }
0x3e: {  	_ =	swait.ge [sflag:s3], $0xC800  }
0x3f: {  	s28 =	sadd.s32 $0xFFFFFFFF, s28;
	[sflag:s3] =	ssyncset.done $0x0  }
.LBB2_1:
0x40: {  	p0 =	sne.s32 s28, $0x1;
	s28 =	sadd.s32 $0xFFFFFFFF, s28;
	[sflag:s3] =	ssyncadd.s32 $0xFFFF3800  }
0x41: {  	[tilespmem:s2], [sflag:$0x2] =	stream.linear.gather [hbm4b:s4+s2], $0x320, $0x38;
	[tilespmem:$0xCB20] =	vst v63  }
0x42: {  	_ =	swait.ge [sflag:s3], $0x320  }
0x43: {  	[sflag:s3] =	ssyncset.done $0x0  }
0x44: {  	[sflag:s3] =	ssyncadd.s32 $0xFFFFFCE0  }
0x45: {  	[tilespmem:s7], [sflag:$0x1] =	stream.indirect.gather [hbm4b:s5+s6], $0x40, s2, s6, $0xb8;
	[tilespmem:$0xCB20] =	vst v63  }
0x46: {  	_ = 	snop  }
0x47: {  	[tilespmem:s8], [sflag:$0x1] =	stream.indirect.gather [hbm4b:s5+s6], $0x40, s6, s6, $0xb8;
	[tilespmem:$0xCB20] =	vst v63  }
0x48: {  	_ = 	snop  }
0x49: {  	[tilespmem:s10], [sflag:$0x1] =	stream.indirect.gather [hbm4b:s5+s6], $0x40, s9, s6, $0xb8;
	[tilespmem:$0xCB20] =	vst v63  }
0x4a: {  	_ = 	snop  }
0x4b: {  	[tilespmem:s12], [sflag:$0x1] =	stream.indirect.gather [hbm4b:s5+s6], $0x40, s11, s6, $0xb8;
	[tilespmem:$0xCB20] =	vst v63  }
0x4c: {  	_ = 	snop  }
0x4d: {  	[tilespmem:s14], [sflag:$0x1] =	stream.indirect.gather [hbm4b:s5+s6], $0x40, s13, s6, $0xb8;
	[tilespmem:$0xCB20] =	vst v63  }
0x4e: {  	_ = 	snop  }
0x4f: {  	[tilespmem:s16], [sflag:$0x1] =	stream.indirect.gather [hbm4b:s5+s6], $0x40, s15, s6, $0xb8;
	[tilespmem:$0xCB20] =	vst v63  }
0x50: {  	_ = 	snop  }
0x51: {  	[tilespmem:s18], [sflag:$0x1] =	stream.indirect.gather [hbm4b:s5+s6], $0x40, s17, s6, $0xb8;
	[tilespmem:$0xCB20] =	vst v63  }
0x52: {  	_ = 	snop  }
0x53: {  	[tilespmem:s20], [sflag:$0x1] =	stream.indirect.gather [hbm4b:s5+s6], $0x40, s19, s6, $0xb8;
	[tilespmem:$0xCB20] =	vst v63  }
0x54: {  	_ = 	snop  }
0x55: {  	[tilespmem:s22], [sflag:$0x1] =	stream.indirect.gather [hbm4b:s5+s6], $0x40, s21, s6, $0xb8;
	[tilespmem:$0xCB20] =	vst v63  }
0x56: {  	_ = 	snop  }
0x57: {  	[tilespmem:s24], [sflag:$0x1] =	stream.indirect.gather [hbm4b:s5+s6], $0x40, s23, s6, $0xb8;
	[tilespmem:$0xCB20] =	vst v63  }
0x58: {  	_ =	swait.ge [sflag:s25], $0x1400  }
0x59: {  	[sflag:s25] =	ssyncset.done $0x0  }
0x5a: {  	[sflag:s25] =	ssyncadd.s32 $0xFFFFEC00  }
0x5b: {  	_ =	swait.ge [sflag:s25], $0x1400  }
0x5c: {  	[sflag:s25] =	ssyncset.done $0x0  }
0x5d: {  	[sflag:s25] =	ssyncadd.s32 $0xFFFFEC00  }
0x5e: {  	_ =	swait.ge [sflag:s25], $0x1400  }
0x5f: {  	[sflag:s25] =	ssyncset.done $0x0  }
0x60: {  	[sflag:s25] =	ssyncadd.s32 $0xFFFFEC00  }
0x61: {  	_ =	swait.ge [sflag:s25], $0x1400  }
0x62: {  	[sflag:s25] =	ssyncset.done $0x0  }
0x63: {  	[sflag:s25] =	ssyncadd.s32 $0xFFFFEC00  }
0x64: {  	_ =	swait.ge [sflag:s25], $0x1400  }
0x65: {  	[sflag:s25] =	ssyncset.done $0x0  }
0x66: {  	[sflag:s25] =	ssyncadd.s32 $0xFFFFEC00  }
0x67: {  	_ =	swait.ge [sflag:s25], $0x1400  }
0x68: {  	[sflag:s25] =	ssyncset.done $0x0  }
0x69: {  	[sflag:s25] =	ssyncadd.s32 $0xFFFFEC00  }
0x6a: {  	_ =	swait.ge [sflag:s25], $0x1400  }
0x6b: {  	[sflag:s25] =	ssyncset.done $0x0  }
0x6c: {  	[sflag:s25] =	ssyncadd.s32 $0xFFFFEC00  }
0x6d: {  	_ =	swait.ge [sflag:s25], $0x1400  }
0x6e: {  	[sflag:s25] =	ssyncset.done $0x0  }
0x6f: {  	[sflag:s25] =	ssyncadd.s32 $0xFFFFEC00  }
0x70: {  	_ =	swait.ge [sflag:s25], $0x1400  }
0x71: {  	[sflag:s25] =	ssyncset.done $0x0  }
0x72: {  	[sflag:s25] =	ssyncadd.s32 $0xFFFFEC00  }
0x73: {  	_ =	swait.ge [sflag:s25], $0x1400  }
.Ltmp1:
0x74: {  	[sflag:s25] =	ssyncset.done $0x0;
	(pc) =	sbr.rel @p0 .LBB2_1-.Ltmp1, $4  }
0x75: {  	[sflag:s25] =	ssyncadd.s32 $0xFFFFEC00  }
0x76: {  	[hbm4b:s26+s2] =	stream.linear.scatter [tilespmem:s7], [sflag:$0x2], $0xC800, $0x38;
	[tilespmem:$0xCB20] =	vst v63  }
0x77: {  	_ =	swait.ge [sflag:s3], $0xC800  }
0x78: {  	[sflag:s3] =	ssyncset.done $0x0  }
.LBB2_2:
0x79: {  	[sflag:s3] =	ssyncadd.s32 $0xFFFF3800  }
0x7a: {  	_ =	sfence.sel $0x180000  }
0x7b: {  	[bflag:$0x0] =	sbarrier.arrive $0xFFFF  }
0x7c: {  	p0 =	sne.s32 s0, $0x0;
	_ =	strace $0x90000047  }
0x7d: {  	s0 =	sadd.s32 @!p0 $0x100000, s1;
	[bflag:$0x2] =	sbarrier.arrive $0xFFFF  }
0x7e: {  	[sflag:s0] =	ssyncadd.tile.s32 @!p0 $0x1;
	_ =	shalt  }
.Lfunc_end2:
_tile_overlayer_lowered:
.L_overlay_start_2:
0x7f: {  	(tag) =	ssettag $0x2  }
0x80: {  	s0 =	rddreg [dreg:$0x0];
	s2 =	stileid.u32  }
0x81: {  	s1 =	rddreg [dreg:$0x1];
	p0 =	sne.s32 s2, $0x0  }
0x82: {  	s3 =	rddreg [dreg:$0x2];
	[bflag:$0x3] =	sbarrier.arrive $0xFFFF;
	s2 =	simm.s32 @!p0 $0x1C02  }
0x83: {  	[timem:s3], [sflag:s2] =	dma.local @!p0 [hbm:s0], s1  }
0x84: {  	s0 =	simm.s32 @!p0 $0x2  }
0x85: {  	_ =	swait.ge @!p0 [sflag:s0], s1  }
0x86: {  	s1 =	ssub.s32 @!p0 $0x0, s1;
	[sflag:s0] =	ssyncset.done @!p0 $0x0  }
0x87: {  	[sflag:s0] =	ssyncadd.s32 @!p0 s1  }
0x88: {  	[bflag:$0x3] =	sbarrier.arrive $0xFFFF  }
0x89: {  	_ =	shalt  }

</sc_bundles>
